<compile_context>
chip_gen: v7x
topology: tpu7x:2x2x1
jax: 0.10.2.dev20260603
libtpu: 0.0.44.dev20260713+nightly
codegen_flags: <defaults>
</compile_context>

<pallas_src>
import functools

import jax
import jax.numpy as jnp
from jax import lax
from jax.experimental import pallas as pl
from jax.experimental.pallas import tpu as pltpu
from jax.experimental.pallas import tpu_sc as plsc

_VOCAB = 100000
_HIDDEN = 64
_BLK = 4096
_GRID = (_VOCAB + _BLK - 1) // _BLK

_NC = 2
_NS = 16
_NW = _NC * _NS
_CHUNK = 128
_NBUF = 4


def _sample_kl_body(meanT_ref, rhoT_ref, scal_ref, seed_ref, out_ref, kl_ref):
    i = pl.program_id(0)
    pltpu.prng_seed(seed_ref[0, 0] ^ (i * jnp.int32(-1640531527)), seed_ref[0, 1])

    mean = meanT_ref[...]
    rho = rhoT_ref[...]

    sig = jnp.maximum(rho, 0.0) + jnp.log1p(jnp.exp(-jnp.abs(rho)))

    bits = pltpu.bitcast(pltpu.prng_random_bits(mean.shape), jnp.uint32)
    ssum = ((bits & 0xFF) + ((bits >> 8) & 0xFF)
            + ((bits >> 16) & 0xFF) + (bits >> 24))
    eps = (ssum.astype(jnp.int32).astype(jnp.float32) - 510.0) * (1.0 / 147.7992)

    out_ref[...] = jnp.transpose(mean + sig * eps)

    pl0 = scal_ref[0, 0]
    ips2 = scal_ref[0, 1]
    c0 = scal_ref[0, 2]
    var = sig * sig
    dm = mean - pl0
    term = (var + dm * dm) * ips2 - jnp.log(var + 1e-9)
    col = i * _BLK + lax.broadcasted_iota(jnp.int32, term.shape, 1)
    s = jnp.sum(jnp.where(col < _VOCAB, term, 0.0))

    @pl.when(i == 0)
    def _init():
        kl_ref[0, 0] = 0.0

    kl_ref[0, 0] += s

    @pl.when(i == pl.num_programs(0) - 1)
    def _final():
        kl_ref[0, 0] = 0.5 * (kl_ref[0, 0] + c0)


def _sample_and_kl(w_meanT, w_rhoT, scal, seeds):
    table, kl = pl.pallas_call(
        _sample_kl_body,
        grid=(_GRID,),
        in_specs=[
            pl.BlockSpec((_HIDDEN, _BLK), lambda i: (0, i)),
            pl.BlockSpec((_HIDDEN, _BLK), lambda i: (0, i)),
            pl.BlockSpec(memory_space=pltpu.SMEM),
            pl.BlockSpec(memory_space=pltpu.SMEM),
        ],
        out_specs=[
            pl.BlockSpec((_BLK, _HIDDEN), lambda i: (i, 0)),
            pl.BlockSpec(memory_space=pltpu.SMEM),
        ],
        out_shape=[
            jax.ShapeDtypeStruct((_VOCAB, _HIDDEN), jnp.float32),
            jax.ShapeDtypeStruct((1, 1), jnp.float32),
        ],
    )(w_meanT, w_rhoT, scal, seeds)
    return table, kl[0, 0]


def _gather(ids3, table, n_chunks):
    mesh = plsc.VectorSubcoreMesh(core_axis_name="c", subcore_axis_name="s")
    per_w = n_chunks * _CHUNK

    @functools.partial(
        pl.kernel,
        mesh=mesh,
        out_type=jax.ShapeDtypeStruct((_NW, per_w, _HIDDEN), jnp.float32),
        scratch_types=[
            pltpu.VMEM((n_chunks, _CHUNK), jnp.int32),
            pltpu.VMEM((_NBUF, _CHUNK, _HIDDEN), jnp.float32),
            pltpu.SemaphoreType.DMA,
            pltpu.SemaphoreType.DMA,
        ],
        compiler_params=pltpu.CompilerParams(use_tc_tiling_on_sc=False),
    )
    def gather_kernel(ids_hbm, table_hbm, out_hbm, idx_v, rows_v, gsem, wsem):
        wid = lax.axis_index("s") * _NC + lax.axis_index("c")
        pltpu.sync_copy(ids_hbm.at[wid], idx_v)

        def start_g(j, b):
            pltpu.async_copy(table_hbm.at[idx_v.at[j]], rows_v.at[b], gsem)

        def wait_g(b):
            pltpu.make_async_copy(
                table_hbm.at[idx_v.at[0]], rows_v.at[b], gsem).wait()

        def start_w(j, b):
            pltpu.async_copy(
                rows_v.at[b], out_hbm.at[wid, pl.ds(j * _CHUNK, _CHUNK)], wsem)

        def wait_w(b):
            pltpu.make_async_copy(
                rows_v.at[0], out_hbm.at[wid, pl.ds(0, _CHUNK)], wsem).wait()

        n_groups = (n_chunks + 2 * (_NBUF - 1)) // _NBUF + 1

        def group(g, carry):
            for b in range(_NBUF):
                j = g * _NBUF + b

                @pl.when((j >= _NBUF) & (j < n_chunks + _NBUF))
                def _free_slot():
                    wait_w(b)

                @pl.when(j < n_chunks)
                def _fire_gather():
                    start_g(j, b)

                bb = (b + 1) % _NBUF

                @pl.when((j >= _NBUF - 1) & (j < n_chunks + _NBUF - 1))
                def _drain_and_write():
                    wait_g(bb)
                    start_w(j - (_NBUF - 1), bb)

            return carry

        lax.fori_loop(0, n_groups, group, 0)

    return gather_kernel(ids3, table)


_TRP = 8


def _tr_body(in_ref, out_ref):
    for p in range(_TRP):
        xT = jnp.transpose(in_ref[p])
        out_ref[p, :, 0:2048] = xT[0:64, :]
        out_ref[p, :, 2048:4096] = xT[64:128, :]


def _transpose_planes(planes, s):
    return pl.pallas_call(
        _tr_body,
        grid=(s // _TRP,),
        in_specs=[pl.BlockSpec((_TRP, 2048, 128), lambda i: (i, 0, 0))],
        out_specs=pl.BlockSpec((_TRP, 64, 4096), lambda i: (i, 0, 0)),
        out_shape=jax.ShapeDtypeStruct((s, 64, 4096), jnp.float32),
        compiler_params=pltpu.CompilerParams(
            dimension_semantics=("parallel",)),
    )(planes)


def kernel(ids, key, w_mean, w_rho, prior_loc, prior_scale):
    b, s = ids.shape
    n_tok = b * s
    n_chunks = n_tok // (_NW * _CHUNK)

    sub = jax.random.key_data(jax.random.split(key, 2)[0])
    seeds = sub.reshape(1, 2).astype(jnp.int32)

    ps2 = (prior_scale * prior_scale).astype(jnp.float32)
    d = float(_VOCAB * _HIDDEN)
    scal = jnp.stack([
        prior_loc.astype(jnp.float32),
        1.0 / ps2,
        d * jnp.log(ps2) - d,
    ]).reshape(1, 3)

    table, kl = _sample_and_kl(w_mean.T, w_rho.T, scal, seeds)

    ids_c = ids.T.reshape(s, 2, 32, 64).transpose(0, 2, 3, 1)
    ids3 = ids_c.reshape(_NW, n_chunks, _CHUNK)
    raw = _gather(ids3, table, n_chunks)
    planes = raw.reshape(s, 2048, 128)
    out3 = _transpose_planes(planes, s)
    emb = jnp.transpose(out3, (2, 0, 1))
    return emb, kl

# --- scband reference (transcript-rebuilt; emitter-appended) ---
"""Pipeline reference for scband-embedding-88038239633616 (READ-ONLY COPY).

The authoritative reference and input builder live on the scoring server;
editing this copy changes nothing except your own understanding.
"""

import jax, jax.numpy as jnp
import numpy as np

VOCAB = 100000
HIDDEN = 64
BATCH = 4096
SEQ = 200


def setup_inputs(seed: int = 0) -> dict:
    key = jax.random.key(seed)
    k1, k2, k3 = jax.random.split(key, 3)
    ids = jax.random.randint(k1, (BATCH, SEQ), 0, VOCAB, dtype=jnp.int32)
    # hk.initializers.TruncatedNormal() default: stddev=1.0, mean=0.0
    w_mean = jax.random.truncated_normal(k2, -2.0, 2.0, (VOCAB, HIDDEN), dtype=jnp.float32)
    # hk.initializers.RandomNormal(stddev=0.01, mean=-7)
    w_rho = jax.random.normal(k3, (VOCAB, HIDDEN), dtype=jnp.float32) * 0.01 - 7.0
    rng_key = jax.random.key(1)  # the `key` forward argument (PRNG key)
    return {
        "ids": ids,
        "key": rng_key,
        "w_mean": w_mean,
        "w_rho": w_rho,
        "prior_loc": jnp.float32(0.0),
        "prior_scale": jnp.float32(1.0),
    }


def kl_divergence(posterior_mean, posterior_cov, prior_mean, prior_cov):
    eps = 1e-09
    d = np.prod(posterior_mean.shape)
    kl = 0.5 * (
        jnp.sum((posterior_cov + (posterior_mean - prior_mean) ** 2) / prior_cov
                - jnp.log(posterior_cov + eps))
        - d + d * jnp.log(prior_cov)
    )
    return kl


def reference(ids, key, w_mean, w_rho, prior_loc, prior_scale):
    # BayesianEmbedding.__call__
    keys = jax.random.split(key, num=2)
    w_sig = jax.nn.softplus(w_rho)
    eps = jax.random.normal(keys[0], shape=w_sig.shape)
    sample_embeddings = w_mean + jnp.multiply(w_sig, eps)
    embeddings = jnp.asarray(sample_embeddings)[ids,]
    kl_div = kl_divergence(w_mean, w_sig ** 2, prior_loc, prior_scale ** 2)
    return (embeddings, kl_div)


if False:  # reference __main__ guard neutralized (emitter)
    inp = setup_inputs()
    emb, kl = reference(**inp)
    print(emb.shape, kl)

if __name__ == "__main__":
    import jax
    _d = setup_inputs()
    print(jax.jit(kernel)(*tuple(_d.values())))

</pallas_src>

<mosaic_0001>
#map = affine_map<(d0, d1) -> (0, 0, 0)>
#map1 = affine_map<(d0, d1) -> (0, 0)>
module attributes {stable_mosaic.version = 14 : i64} {
  func.func @gather_kernel(%arg0: i32, %arg1: i32, %arg2: memref<32x200x128xi32, #tpu.memory_space<hbm>>, %arg3: memref<100000x64xf32, #tpu.memory_space<hbm>>, %arg4: memref<32x25600x64xf32, #tpu.memory_space<hbm>>, %arg5: memref<200x128xi32, #tpu.memory_space<vmem>>, %arg6: memref<4x128x64xf32, #tpu.memory_space<vmem>>, %arg7: memref<!tpu.dma_semaphore, #tpu.memory_space<semaphore_mem>>, %arg8: memref<!tpu.dma_semaphore, #tpu.memory_space<semaphore_mem>>) attributes {dimension_semantics = [#tpu.dimension_semantics<core_parallel>, #tpu.dimension_semantics<subcore_parallel>], iteration_bounds = array<i64: 2, 16>, scalar_prefetch = 0 : i64, scratch_operands = 4 : i64, tpu.core_type = #tpu.core_type<sc_vector_subcore>, window_params = [{transform_indices = #map}, {transform_indices = #map1}, {transform_indices = #map}]} {
    %mul3A = arith.constant 2 : i32
    %mul3A_0 = arith.muli %arg1, %mul3A : i32
    %add3A = arith.addi %mul3A_0, %arg0 : i32
    "tpu.region"() ({
      %run_scoped3A = tpu.sem_alloc : memref<!tpu.dma_semaphore, #tpu.memory_space<semaphore_mem>>
      %dma_start3A = arith.constant 0 : i32
      %dma_start3A_6 = arith.constant 0 : i32
      %dma_start3A_7 = tpu.memref_slice %arg2[%add3A, %dma_start3A, %dma_start3A_6] : memref<32x200x128xi32, #tpu.memory_space<hbm>> -> memref<1x200x128xi32, #tpu.memory_space<hbm>>
      %dma_start3A_8 = tpu.memref_squeeze %dma_start3A_7 : memref<1x200x128xi32, #tpu.memory_space<hbm>> -> memref<200x128xi32, #tpu.memory_space<hbm>>
      %dma_start3A_9 = arith.constant 0 : i32
      %dma_start3A_10 = arith.constant 0 : i32
      %dma_start3A_11 = tpu.memref_slice %arg2[%add3A, %dma_start3A_9, %dma_start3A_10] : memref<32x200x128xi32, #tpu.memory_space<hbm>> -> memref<1x200x128xi32, #tpu.memory_space<hbm>>
      %dma_start3A_12 = tpu.memref_squeeze %dma_start3A_11 : memref<1x200x128xi32, #tpu.memory_space<hbm>> -> memref<200x128xi32, #tpu.memory_space<hbm>>
      tpu.enqueue_dma source(%dma_start3A_12 : memref<200x128xi32, #tpu.memory_space<hbm>>) target(%arg5 : memref<200x128xi32, #tpu.memory_space<vmem>>) target_semaphore(%run_scoped3A : memref<!tpu.dma_semaphore, #tpu.memory_space<semaphore_mem>>)
      %dma_wait3A = arith.constant 0 : i32
      %dma_wait3A_13 = arith.constant 0 : i32
      %dma_wait3A_14 = tpu.memref_slice %arg2[%add3A, %dma_wait3A, %dma_wait3A_13] : memref<32x200x128xi32, #tpu.memory_space<hbm>> -> memref<1x200x128xi32, #tpu.memory_space<hbm>>
      %dma_wait3A_15 = tpu.memref_squeeze %dma_wait3A_14 : memref<1x200x128xi32, #tpu.memory_space<hbm>> -> memref<200x128xi32, #tpu.memory_space<hbm>>
      %dma_wait3A_16 = arith.constant 0 : i32
      %dma_wait3A_17 = arith.constant 0 : i32
      %dma_wait3A_18 = tpu.memref_slice %arg2[%add3A, %dma_wait3A_16, %dma_wait3A_17] : memref<32x200x128xi32, #tpu.memory_space<hbm>> -> memref<1x200x128xi32, #tpu.memory_space<hbm>>
      %dma_wait3A_19 = tpu.memref_squeeze %dma_wait3A_18 : memref<1x200x128xi32, #tpu.memory_space<hbm>> -> memref<200x128xi32, #tpu.memory_space<hbm>>
      tpu.wait_dma2 semaphore(%run_scoped3A : memref<!tpu.dma_semaphore, #tpu.memory_space<semaphore_mem>>) src(%dma_wait3A_19 : memref<200x128xi32, #tpu.memory_space<hbm>>) dst(%arg5 : memref<200x128xi32, #tpu.memory_space<vmem>>)
      tpu.yield
    }) : () -> ()
    %scan3A = arith.constant 0 : i32
    %scan3A_1 = arith.constant 0 : i32
    %scan3A_2 = arith.constant 52 : i32
    %scan3A_3 = arith.addi %scan3A_1, %scan3A_2 : i32
    %scan3A_4 = arith.constant 1 : i32
    scf.for %scan3A_6 = %scan3A_1 to %scan3A_3 step %scan3A_4  : i32 {
      %mul3A_7 = arith.constant 4 : i32
      %mul3A_8 = arith.muli %scan3A_6, %mul3A_7 : i32
      %add3A_9 = arith.constant 0 : i32
      %add3A_10 = arith.addi %mul3A_8, %add3A_9 : i32
      %ge3A = arith.constant 4 : i32
      %ge3A_11 = arith.cmpi sge, %add3A_10, %ge3A : i32
      %lt3A = arith.constant 204 : i32
      %lt3A_12 = arith.cmpi slt, %add3A_10, %lt3A : i32
      %and3A = arith.andi %ge3A_11, %lt3A_12 : i1
      %convert_element_type3A = arith.extui %and3A : i1 to i32
      %cond3A = arith.constant 0 : i32
      %cond3A_13 = arith.cmpi ne, %convert_element_type3A, %cond3A : i32
      scf.if %cond3A_13 {
        %dma_wait3A = arith.constant 0 : i32
        %dma_wait3A_102 = arith.constant 0 : i32
        %dma_wait3A_103 = arith.constant 0 : i32
        %dma_wait3A_104 = tpu.memref_slice %arg6[%dma_wait3A, %dma_wait3A_102, %dma_wait3A_103] : memref<4x128x64xf32, #tpu.memory_space<vmem>> -> memref<1x128x64xf32, #tpu.memory_space<vmem>>
        %dma_wait3A_105 = tpu.memref_squeeze %dma_wait3A_104 : memref<1x128x64xf32, #tpu.memory_space<vmem>> -> memref<128x64xf32, #tpu.memory_space<vmem>>
        %dma_wait3A_106 = arith.constant 0 : i32
        %dma_wait3A_107 = arith.constant 0 : i32
        %dma_wait3A_108 = tpu.memref_slice %arg4[%add3A, %dma_wait3A_106, %dma_wait3A_107] : memref<32x25600x64xf32, #tpu.memory_space<hbm>> -> memref<1x128x64xf32, #tpu.memory_space<hbm>>
        %dma_wait3A_109 = tpu.memref_squeeze %dma_wait3A_108 : memref<1x128x64xf32, #tpu.memory_space<hbm>> -> memref<128x64xf32, #tpu.memory_space<hbm>>
        %dma_wait3A_110 = arith.constant 0 : i32
        %dma_wait3A_111 = arith.constant 0 : i32
        %dma_wait3A_112 = tpu.memref_slice %arg4[%add3A, %dma_wait3A_110, %dma_wait3A_111] : memref<32x25600x64xf32, #tpu.memory_space<hbm>> -> memref<1x128x64xf32, #tpu.memory_space<hbm>>
        %dma_wait3A_113 = tpu.memref_squeeze %dma_wait3A_112 : memref<1x128x64xf32, #tpu.memory_space<hbm>> -> memref<128x64xf32, #tpu.memory_space<hbm>>
        %dma_wait3A_114 = arith.constant 0 : i32
        %dma_wait3A_115 = arith.constant 0 : i32
        %dma_wait3A_116 = tpu.memref_slice %arg6[%dma_wait3A, %dma_wait3A_114, %dma_wait3A_115] : memref<4x128x64xf32, #tpu.memory_space<vmem>> -> memref<1x128x64xf32, #tpu.memory_space<vmem>>
        %dma_wait3A_117 = tpu.memref_squeeze %dma_wait3A_116 : memref<1x128x64xf32, #tpu.memory_space<vmem>> -> memref<128x64xf32, #tpu.memory_space<vmem>>
        tpu.wait_dma2 semaphore(%arg8 : memref<!tpu.dma_semaphore, #tpu.memory_space<semaphore_mem>>) src(%dma_wait3A_117 : memref<128x64xf32, #tpu.memory_space<vmem>>) dst(%dma_wait3A_113 : memref<128x64xf32, #tpu.memory_space<hbm>>)
      } else {
      }
      %lt3A_14 = arith.constant 200 : i32
      %lt3A_15 = arith.cmpi slt, %add3A_10, %lt3A_14 : i32
      %convert_element_type3A_16 = arith.extui %lt3A_15 : i1 to i32
      %cond3A_17 = arith.constant 0 : i32
      %cond3A_18 = arith.cmpi ne, %convert_element_type3A_16, %cond3A_17 : i32
      scf.if %cond3A_18 {
        %dma_start3A = arith.constant 0 : i32
        %dma_start3A_102 = arith.constant 0 : i32
        %dma_start3A_103 = arith.constant 0 : i32
        %dma_start3A_104 = tpu.memref_slice %arg6[%dma_start3A, %dma_start3A_102, %dma_start3A_103] : memref<4x128x64xf32, #tpu.memory_space<vmem>> -> memref<1x128x64xf32, #tpu.memory_space<vmem>>
        %dma_start3A_105 = tpu.memref_squeeze %dma_start3A_104 : memref<1x128x64xf32, #tpu.memory_space<vmem>> -> memref<128x64xf32, #tpu.memory_space<vmem>>
        %dma_start3A_106 = arith.constant 0 : i32
        %dma_start3A_107 = tpu.memref_slice %arg5[%add3A_10, %dma_start3A_106] : memref<200x128xi32, #tpu.memory_space<vmem>> -> memref<1x128xi32, #tpu.memory_space<vmem>>
        %dma_start3A_108 = tpu.memref_squeeze %dma_start3A_107 : memref<1x128xi32, #tpu.memory_space<vmem>> -> memref<128xi32, #tpu.memory_space<vmem>>
        %dma_start3A_109 = arith.constant 0 : i32
        %dma_start3A_110 = arith.constant 0 : i32
        %dma_start3A_111 = tpu.memref_slice %arg3[%dma_start3A_109, %dma_start3A_110] : memref<100000x64xf32, #tpu.memory_space<hbm>> -> memref<100000x64xf32, #tpu.memory_space<hbm>>
        tpu.enqueue_indirect_dma source(%dma_start3A_111 : memref<100000x64xf32, #tpu.memory_space<hbm>>) target(%dma_start3A_105 : memref<128x64xf32, #tpu.memory_space<vmem>>) offsets(%dma_start3A_108 : memref<128xi32, #tpu.memory_space<vmem>>) semaphore(%arg7 : memref<!tpu.dma_semaphore, #tpu.memory_space<semaphore_mem>>)
      } else {
      }
      %ge3A_19 = arith.constant 3 : i32
      %ge3A_20 = arith.cmpi sge, %add3A_10, %ge3A_19 : i32
      %lt3A_21 = arith.constant 203 : i32
      %lt3A_22 = arith.cmpi slt, %add3A_10, %lt3A_21 : i32
      %and3A_23 = arith.andi %ge3A_20, %lt3A_22 : i1
      %convert_element_type3A_24 = arith.extui %and3A_23 : i1 to i32
      %cond3A_25 = arith.constant 0 : i32
      %cond3A_26 = arith.cmpi ne, %convert_element_type3A_24, %cond3A_25 : i32
      scf.if %cond3A_26 {
        %dma_wait3A = arith.constant 0 : i32
        %dma_wait3A_102 = arith.constant 1 : i32
        %dma_wait3A_103 = arith.constant 0 : i32
        %dma_wait3A_104 = arith.constant 0 : i32
        %dma_wait3A_105 = tpu.memref_slice %arg6[%dma_wait3A_102, %dma_wait3A_103, %dma_wait3A_104] : memref<4x128x64xf32, #tpu.memory_space<vmem>> -> memref<1x128x64xf32, #tpu.memory_space<vmem>>
        %dma_wait3A_106 = tpu.memref_squeeze %dma_wait3A_105 : memref<1x128x64xf32, #tpu.memory_space<vmem>> -> memref<128x64xf32, #tpu.memory_space<vmem>>
        %dma_wait3A_107 = arith.constant 0 : i32
        %dma_wait3A_108 = tpu.memref_slice %arg5[%dma_wait3A, %dma_wait3A_107] : memref<200x128xi32, #tpu.memory_space<vmem>> -> memref<1x128xi32, #tpu.memory_space<vmem>>
        %dma_wait3A_109 = tpu.memref_squeeze %dma_wait3A_108 : memref<1x128xi32, #tpu.memory_space<vmem>> -> memref<128xi32, #tpu.memory_space<vmem>>
        %dma_wait3A_110 = arith.constant 0 : i32
        %dma_wait3A_111 = arith.constant 0 : i32
        %dma_wait3A_112 = tpu.memref_slice %arg3[%dma_wait3A_110, %dma_wait3A_111] : memref<100000x64xf32, #tpu.memory_space<hbm>> -> memref<100000x64xf32, #tpu.memory_space<hbm>>
        tpu.wait_indirect_dma semaphore(%arg7 : memref<!tpu.dma_semaphore, #tpu.memory_space<semaphore_mem>>) src(%dma_wait3A_112 : memref<100000x64xf32, #tpu.memory_space<hbm>>) dst(%dma_wait3A_106 : memref<128x64xf32, #tpu.memory_space<vmem>>)
        %sub3A = arith.constant 3 : i32
        %sub3A_113 = arith.subi %add3A_10, %sub3A : i32
        %mul3A_114 = arith.constant 128 : i32
        %mul3A_115 = arith.muli %sub3A_113, %mul3A_114 : i32
        %dma_start3A = arith.constant 1 : i32
        %dma_start3A_116 = arith.constant 0 : i32
        %dma_start3A_117 = arith.constant 0 : i32
        %dma_start3A_118 = tpu.memref_slice %arg6[%dma_start3A, %dma_start3A_116, %dma_start3A_117] : memref<4x128x64xf32, #tpu.memory_space<vmem>> -> memref<1x128x64xf32, #tpu.memory_space<vmem>>
        %dma_start3A_119 = tpu.memref_squeeze %dma_start3A_118 : memref<1x128x64xf32, #tpu.memory_space<vmem>> -> memref<128x64xf32, #tpu.memory_space<vmem>>
        %dma_start3A_120 = arith.constant 0 : i32
        %dma_start3A_121 = tpu.memref_slice %arg4[%add3A, %mul3A_115, %dma_start3A_120] : memref<32x25600x64xf32, #tpu.memory_space<hbm>> -> memref<1x128x64xf32, #tpu.memory_space<hbm>>
        %dma_start3A_122 = tpu.memref_squeeze %dma_start3A_121 : memref<1x128x64xf32, #tpu.memory_space<hbm>> -> memref<128x64xf32, #tpu.memory_space<hbm>>
        %dma_start3A_123 = arith.constant 0 : i32
        %dma_start3A_124 = tpu.memref_slice %arg4[%add3A, %mul3A_115, %dma_start3A_123] : memref<32x25600x64xf32, #tpu.memory_space<hbm>> -> memref<1x128x64xf32, #tpu.memory_space<hbm>>
        %dma_start3A_125 = tpu.memref_squeeze %dma_start3A_124 : memref<1x128x64xf32, #tpu.memory_space<hbm>> -> memref<128x64xf32, #tpu.memory_space<hbm>>
        %dma_start3A_126 = arith.constant 0 : i32
        %dma_start3A_127 = arith.constant 0 : i32
        %dma_start3A_128 = tpu.memref_slice %arg6[%dma_start3A, %dma_start3A_126, %dma_start3A_127] : memref<4x128x64xf32, #tpu.memory_space<vmem>> -> memref<1x128x64xf32, #tpu.memory_space<vmem>>
        %dma_start3A_129 = tpu.memref_squeeze %dma_start3A_128 : memref<1x128x64xf32, #tpu.memory_space<vmem>> -> memref<128x64xf32, #tpu.memory_space<vmem>>
        tpu.enqueue_dma source(%dma_start3A_129 : memref<128x64xf32, #tpu.memory_space<vmem>>) target(%dma_start3A_125 : memref<128x64xf32, #tpu.memory_space<hbm>>) target_semaphore(%arg8 : memref<!tpu.dma_semaphore, #tpu.memory_space<semaphore_mem>>)
      } else {
      }
      %mul3A_27 = arith.constant 4 : i32
      %mul3A_28 = arith.muli %scan3A_6, %mul3A_27 : i32
      %add3A_29 = arith.constant 1 : i32
      %add3A_30 = arith.addi %mul3A_28, %add3A_29 : i32
      %ge3A_31 = arith.constant 4 : i32
      %ge3A_32 = arith.cmpi sge, %add3A_30, %ge3A_31 : i32
      %lt3A_33 = arith.constant 204 : i32
      %lt3A_34 = arith.cmpi slt, %add3A_30, %lt3A_33 : i32
      %and3A_35 = arith.andi %ge3A_32, %lt3A_34 : i1
      %convert_element_type3A_36 = arith.extui %and3A_35 : i1 to i32
      %cond3A_37 = arith.constant 0 : i32
      %cond3A_38 = arith.cmpi ne, %convert_element_type3A_36, %cond3A_37 : i32
      scf.if %cond3A_38 {
        %dma_wait3A = arith.constant 0 : i32
        %dma_wait3A_102 = arith.constant 0 : i32
        %dma_wait3A_103 = arith.constant 0 : i32
        %dma_wait3A_104 = tpu.memref_slice %arg6[%dma_wait3A, %dma_wait3A_102, %dma_wait3A_103] : memref<4x128x64xf32, #tpu.memory_space<vmem>> -> memref<1x128x64xf32, #tpu.memory_space<vmem>>
        %dma_wait3A_105 = tpu.memref_squeeze %dma_wait3A_104 : memref<1x128x64xf32, #tpu.memory_space<vmem>> -> memref<128x64xf32, #tpu.memory_space<vmem>>
        %dma_wait3A_106 = arith.constant 0 : i32
        %dma_wait3A_107 = arith.constant 0 : i32
        %dma_wait3A_108 = tpu.memref_slice %arg4[%add3A, %dma_wait3A_106, %dma_wait3A_107] : memref<32x25600x64xf32, #tpu.memory_space<hbm>> -> memref<1x128x64xf32, #tpu.memory_space<hbm>>
        %dma_wait3A_109 = tpu.memref_squeeze %dma_wait3A_108 : memref<1x128x64xf32, #tpu.memory_space<hbm>> -> memref<128x64xf32, #tpu.memory_space<hbm>>
        %dma_wait3A_110 = arith.constant 0 : i32
        %dma_wait3A_111 = arith.constant 0 : i32
        %dma_wait3A_112 = tpu.memref_slice %arg4[%add3A, %dma_wait3A_110, %dma_wait3A_111] : memref<32x25600x64xf32, #tpu.memory_space<hbm>> -> memref<1x128x64xf32, #tpu.memory_space<hbm>>
        %dma_wait3A_113 = tpu.memref_squeeze %dma_wait3A_112 : memref<1x128x64xf32, #tpu.memory_space<hbm>> -> memref<128x64xf32, #tpu.memory_space<hbm>>
        %dma_wait3A_114 = arith.constant 0 : i32
        %dma_wait3A_115 = arith.constant 0 : i32
        %dma_wait3A_116 = tpu.memref_slice %arg6[%dma_wait3A, %dma_wait3A_114, %dma_wait3A_115] : memref<4x128x64xf32, #tpu.memory_space<vmem>> -> memref<1x128x64xf32, #tpu.memory_space<vmem>>
        %dma_wait3A_117 = tpu.memref_squeeze %dma_wait3A_116 : memref<1x128x64xf32, #tpu.memory_space<vmem>> -> memref<128x64xf32, #tpu.memory_space<vmem>>
        tpu.wait_dma2 semaphore(%arg8 : memref<!tpu.dma_semaphore, #tpu.memory_space<semaphore_mem>>) src(%dma_wait3A_117 : memref<128x64xf32, #tpu.memory_space<vmem>>) dst(%dma_wait3A_113 : memref<128x64xf32, #tpu.memory_space<hbm>>)
      } else {
      }
      %lt3A_39 = arith.constant 200 : i32
      %lt3A_40 = arith.cmpi slt, %add3A_30, %lt3A_39 : i32
      %convert_element_type3A_41 = arith.extui %lt3A_40 : i1 to i32
      %cond3A_42 = arith.constant 0 : i32
      %cond3A_43 = arith.cmpi ne, %convert_element_type3A_41, %cond3A_42 : i32
      scf.if %cond3A_43 {
        %dma_start3A = arith.constant 1 : i32
        %dma_start3A_102 = arith.constant 0 : i32
        %dma_start3A_103 = arith.constant 0 : i32
        %dma_start3A_104 = tpu.memref_slice %arg6[%dma_start3A, %dma_start3A_102, %dma_start3A_103] : memref<4x128x64xf32, #tpu.memory_space<vmem>> -> memref<1x128x64xf32, #tpu.memory_space<vmem>>
        %dma_start3A_105 = tpu.memref_squeeze %dma_start3A_104 : memref<1x128x64xf32, #tpu.memory_space<vmem>> -> memref<128x64xf32, #tpu.memory_space<vmem>>
        %dma_start3A_106 = arith.constant 0 : i32
        %dma_start3A_107 = tpu.memref_slice %arg5[%add3A_30, %dma_start3A_106] : memref<200x128xi32, #tpu.memory_space<vmem>> -> memref<1x128xi32, #tpu.memory_space<vmem>>
        %dma_start3A_108 = tpu.memref_squeeze %dma_start3A_107 : memref<1x128xi32, #tpu.memory_space<vmem>> -> memref<128xi32, #tpu.memory_space<vmem>>
        %dma_start3A_109 = arith.constant 0 : i32
        %dma_start3A_110 = arith.constant 0 : i32
        %dma_start3A_111 = tpu.memref_slice %arg3[%dma_start3A_109, %dma_start3A_110] : memref<100000x64xf32, #tpu.memory_space<hbm>> -> memref<100000x64xf32, #tpu.memory_space<hbm>>
        tpu.enqueue_indirect_dma source(%dma_start3A_111 : memref<100000x64xf32, #tpu.memory_space<hbm>>) target(%dma_start3A_105 : memref<128x64xf32, #tpu.memory_space<vmem>>) offsets(%dma_start3A_108 : memref<128xi32, #tpu.memory_space<vmem>>) semaphore(%arg7 : memref<!tpu.dma_semaphore, #tpu.memory_space<semaphore_mem>>)
      } else {
      }
      %ge3A_44 = arith.constant 3 : i32
      %ge3A_45 = arith.cmpi sge, %add3A_30, %ge3A_44 : i32
      %lt3A_46 = arith.constant 203 : i32
      %lt3A_47 = arith.cmpi slt, %add3A_30, %lt3A_46 : i32
      %and3A_48 = arith.andi %ge3A_45, %lt3A_47 : i1
      %convert_element_type3A_49 = arith.extui %and3A_48 : i1 to i32
      %cond3A_50 = arith.constant 0 : i32
      %cond3A_51 = arith.cmpi ne, %convert_element_type3A_49, %cond3A_50 : i32
      scf.if %cond3A_51 {
        %dma_wait3A = arith.constant 0 : i32
        %dma_wait3A_102 = arith.constant 2 : i32
        %dma_wait3A_103 = arith.constant 0 : i32
        %dma_wait3A_104 = arith.constant 0 : i32
        %dma_wait3A_105 = tpu.memref_slice %arg6[%dma_wait3A_102, %dma_wait3A_103, %dma_wait3A_104] : memref<4x128x64xf32, #tpu.memory_space<vmem>> -> memref<1x128x64xf32, #tpu.memory_space<vmem>>
        %dma_wait3A_106 = tpu.memref_squeeze %dma_wait3A_105 : memref<1x128x64xf32, #tpu.memory_space<vmem>> -> memref<128x64xf32, #tpu.memory_space<vmem>>
        %dma_wait3A_107 = arith.constant 0 : i32
        %dma_wait3A_108 = tpu.memref_slice %arg5[%dma_wait3A, %dma_wait3A_107] : memref<200x128xi32, #tpu.memory_space<vmem>> -> memref<1x128xi32, #tpu.memory_space<vmem>>
        %dma_wait3A_109 = tpu.memref_squeeze %dma_wait3A_108 : memref<1x128xi32, #tpu.memory_space<vmem>> -> memref<128xi32, #tpu.memory_space<vmem>>
        %dma_wait3A_110 = arith.constant 0 : i32
        %dma_wait3A_111 = arith.constant 0 : i32
        %dma_wait3A_112 = tpu.memref_slice %arg3[%dma_wait3A_110, %dma_wait3A_111] : memref<100000x64xf32, #tpu.memory_space<hbm>> -> memref<100000x64xf32, #tpu.memory_space<hbm>>
        tpu.wait_indirect_dma semaphore(%arg7 : memref<!tpu.dma_semaphore, #tpu.memory_space<semaphore_mem>>) src(%dma_wait3A_112 : memref<100000x64xf32, #tpu.memory_space<hbm>>) dst(%dma_wait3A_106 : memref<128x64xf32, #tpu.memory_space<vmem>>)
        %sub3A = arith.constant 3 : i32
        %sub3A_113 = arith.subi %add3A_30, %sub3A : i32
        %mul3A_114 = arith.constant 128 : i32
        %mul3A_115 = arith.muli %sub3A_113, %mul3A_114 : i32
        %dma_start3A = arith.constant 2 : i32
        %dma_start3A_116 = arith.constant 0 : i32
        %dma_start3A_117 = arith.constant 0 : i32
        %dma_start3A_118 = tpu.memref_slice %arg6[%dma_start3A, %dma_start3A_116, %dma_start3A_117] : memref<4x128x64xf32, #tpu.memory_space<vmem>> -> memref<1x128x64xf32, #tpu.memory_space<vmem>>
        %dma_start3A_119 = tpu.memref_squeeze %dma_start3A_118 : memref<1x128x64xf32, #tpu.memory_space<vmem>> -> memref<128x64xf32, #tpu.memory_space<vmem>>
        %dma_start3A_120 = arith.constant 0 : i32
        %dma_start3A_121 = tpu.memref_slice %arg4[%add3A, %mul3A_115, %dma_start3A_120] : memref<32x25600x64xf32, #tpu.memory_space<hbm>> -> memref<1x128x64xf32, #tpu.memory_space<hbm>>
        %dma_start3A_122 = tpu.memref_squeeze %dma_start3A_121 : memref<1x128x64xf32, #tpu.memory_space<hbm>> -> memref<128x64xf32, #tpu.memory_space<hbm>>
        %dma_start3A_123 = arith.constant 0 : i32
        %dma_start3A_124 = tpu.memref_slice %arg4[%add3A, %mul3A_115, %dma_start3A_123] : memref<32x25600x64xf32, #tpu.memory_space<hbm>> -> memref<1x128x64xf32, #tpu.memory_space<hbm>>
        %dma_start3A_125 = tpu.memref_squeeze %dma_start3A_124 : memref<1x128x64xf32, #tpu.memory_space<hbm>> -> memref<128x64xf32, #tpu.memory_space<hbm>>
        %dma_start3A_126 = arith.constant 0 : i32
        %dma_start3A_127 = arith.constant 0 : i32
        %dma_start3A_128 = tpu.memref_slice %arg6[%dma_start3A, %dma_start3A_126, %dma_start3A_127] : memref<4x128x64xf32, #tpu.memory_space<vmem>> -> memref<1x128x64xf32, #tpu.memory_space<vmem>>
        %dma_start3A_129 = tpu.memref_squeeze %dma_start3A_128 : memref<1x128x64xf32, #tpu.memory_space<vmem>> -> memref<128x64xf32, #tpu.memory_space<vmem>>
        tpu.enqueue_dma source(%dma_start3A_129 : memref<128x64xf32, #tpu.memory_space<vmem>>) target(%dma_start3A_125 : memref<128x64xf32, #tpu.memory_space<hbm>>) target_semaphore(%arg8 : memref<!tpu.dma_semaphore, #tpu.memory_space<semaphore_mem>>)
      } else {
      }
      %mul3A_52 = arith.constant 4 : i32
      %mul3A_53 = arith.muli %scan3A_6, %mul3A_52 : i32
      %add3A_54 = arith.constant 2 : i32
      %add3A_55 = arith.addi %mul3A_53, %add3A_54 : i32
      %ge3A_56 = arith.constant 4 : i32
      %ge3A_57 = arith.cmpi sge, %add3A_55, %ge3A_56 : i32
      %lt3A_58 = arith.constant 204 : i32
      %lt3A_59 = arith.cmpi slt, %add3A_55, %lt3A_58 : i32
      %and3A_60 = arith.andi %ge3A_57, %lt3A_59 : i1
      %convert_element_type3A_61 = arith.extui %and3A_60 : i1 to i32
      %cond3A_62 = arith.constant 0 : i32
      %cond3A_63 = arith.cmpi ne, %convert_element_type3A_61, %cond3A_62 : i32
      scf.if %cond3A_63 {
        %dma_wait3A = arith.constant 0 : i32
        %dma_wait3A_102 = arith.constant 0 : i32
        %dma_wait3A_103 = arith.constant 0 : i32
        %dma_wait3A_104 = tpu.memref_slice %arg6[%dma_wait3A, %dma_wait3A_102, %dma_wait3A_103] : memref<4x128x64xf32, #tpu.memory_space<vmem>> -> memref<1x128x64xf32, #tpu.memory_space<vmem>>
        %dma_wait3A_105 = tpu.memref_squeeze %dma_wait3A_104 : memref<1x128x64xf32, #tpu.memory_space<vmem>> -> memref<128x64xf32, #tpu.memory_space<vmem>>
        %dma_wait3A_106 = arith.constant 0 : i32
        %dma_wait3A_107 = arith.constant 0 : i32
        %dma_wait3A_108 = tpu.memref_slice %arg4[%add3A, %dma_wait3A_106, %dma_wait3A_107] : memref<32x25600x64xf32, #tpu.memory_space<hbm>> -> memref<1x128x64xf32, #tpu.memory_space<hbm>>
        %dma_wait3A_109 = tpu.memref_squeeze %dma_wait3A_108 : memref<1x128x64xf32, #tpu.memory_space<hbm>> -> memref<128x64xf32, #tpu.memory_space<hbm>>
        %dma_wait3A_110 = arith.constant 0 : i32
        %dma_wait3A_111 = arith.constant 0 : i32
        %dma_wait3A_112 = tpu.memref_slice %arg4[%add3A, %dma_wait3A_110, %dma_wait3A_111] : memref<32x25600x64xf32, #tpu.memory_space<hbm>> -> memref<1x128x64xf32, #tpu.memory_space<hbm>>
        %dma_wait3A_113 = tpu.memref_squeeze %dma_wait3A_112 : memref<1x128x64xf32, #tpu.memory_space<hbm>> -> memref<128x64xf32, #tpu.memory_space<hbm>>
        %dma_wait3A_114 = arith.constant 0 : i32
        %dma_wait3A_115 = arith.constant 0 : i32
        %dma_wait3A_116 = tpu.memref_slice %arg6[%dma_wait3A, %dma_wait3A_114, %dma_wait3A_115] : memref<4x128x64xf32, #tpu.memory_space<vmem>> -> memref<1x128x64xf32, #tpu.memory_space<vmem>>
        %dma_wait3A_117 = tpu.memref_squeeze %dma_wait3A_116 : memref<1x128x64xf32, #tpu.memory_space<vmem>> -> memref<128x64xf32, #tpu.memory_space<vmem>>
        tpu.wait_dma2 semaphore(%arg8 : memref<!tpu.dma_semaphore, #tpu.memory_space<semaphore_mem>>) src(%dma_wait3A_117 : memref<128x64xf32, #tpu.memory_space<vmem>>) dst(%dma_wait3A_113 : memref<128x64xf32, #tpu.memory_space<hbm>>)
      } else {
      }
      %lt3A_64 = arith.constant 200 : i32
      %lt3A_65 = arith.cmpi slt, %add3A_55, %lt3A_64 : i32
      %convert_element_type3A_66 = arith.extui %lt3A_65 : i1 to i32
      %cond3A_67 = arith.constant 0 : i32
      %cond3A_68 = arith.cmpi ne, %convert_element_type3A_66, %cond3A_67 : i32
      scf.if %cond3A_68 {
        %dma_start3A = arith.constant 2 : i32
        %dma_start3A_102 = arith.constant 0 : i32
        %dma_start3A_103 = arith.constant 0 : i32
        %dma_start3A_104 = tpu.memref_slice %arg6[%dma_start3A, %dma_start3A_102, %dma_start3A_103] : memref<4x128x64xf32, #tpu.memory_space<vmem>> -> memref<1x128x64xf32, #tpu.memory_space<vmem>>
        %dma_start3A_105 = tpu.memref_squeeze %dma_start3A_104 : memref<1x128x64xf32, #tpu.memory_space<vmem>> -> memref<128x64xf32, #tpu.memory_space<vmem>>
        %dma_start3A_106 = arith.constant 0 : i32
        %dma_start3A_107 = tpu.memref_slice %arg5[%add3A_55, %dma_start3A_106] : memref<200x128xi32, #tpu.memory_space<vmem>> -> memref<1x128xi32, #tpu.memory_space<vmem>>
        %dma_start3A_108 = tpu.memref_squeeze %dma_start3A_107 : memref<1x128xi32, #tpu.memory_space<vmem>> -> memref<128xi32, #tpu.memory_space<vmem>>
        %dma_start3A_109 = arith.constant 0 : i32
        %dma_start3A_110 = arith.constant 0 : i32
        %dma_start3A_111 = tpu.memref_slice %arg3[%dma_start3A_109, %dma_start3A_110] : memref<100000x64xf32, #tpu.memory_space<hbm>> -> memref<100000x64xf32, #tpu.memory_space<hbm>>
        tpu.enqueue_indirect_dma source(%dma_start3A_111 : memref<100000x64xf32, #tpu.memory_space<hbm>>) target(%dma_start3A_105 : memref<128x64xf32, #tpu.memory_space<vmem>>) offsets(%dma_start3A_108 : memref<128xi32, #tpu.memory_space<vmem>>) semaphore(%arg7 : memref<!tpu.dma_semaphore, #tpu.memory_space<semaphore_mem>>)
      } else {
      }
      %ge3A_69 = arith.constant 3 : i32
      %ge3A_70 = arith.cmpi sge, %add3A_55, %ge3A_69 : i32
      %lt3A_71 = arith.constant 203 : i32
      %lt3A_72 = arith.cmpi slt, %add3A_55, %lt3A_71 : i32
      %and3A_73 = arith.andi %ge3A_70, %lt3A_72 : i1
      %convert_element_type3A_74 = arith.extui %and3A_73 : i1 to i32
      %cond3A_75 = arith.constant 0 : i32
      %cond3A_76 = arith.cmpi ne, %convert_element_type3A_74, %cond3A_75 : i32
      scf.if %cond3A_76 {
        %dma_wait3A = arith.constant 0 : i32
        %dma_wait3A_102 = arith.constant 3 : i32
        %dma_wait3A_103 = arith.constant 0 : i32
        %dma_wait3A_104 = arith.constant 0 : i32
        %dma_wait3A_105 = tpu.memref_slice %arg6[%dma_wait3A_102, %dma_wait3A_103, %dma_wait3A_104] : memref<4x128x64xf32, #tpu.memory_space<vmem>> -> memref<1x128x64xf32, #tpu.memory_space<vmem>>
        %dma_wait3A_106 = tpu.memref_squeeze %dma_wait3A_105 : memref<1x128x64xf32, #tpu.memory_space<vmem>> -> memref<128x64xf32, #tpu.memory_space<vmem>>
        %dma_wait3A_107 = arith.constant 0 : i32
        %dma_wait3A_108 = tpu.memref_slice %arg5[%dma_wait3A, %dma_wait3A_107] : memref<200x128xi32, #tpu.memory_space<vmem>> -> memref<1x128xi32, #tpu.memory_space<vmem>>
        %dma_wait3A_109 = tpu.memref_squeeze %dma_wait3A_108 : memref<1x128xi32, #tpu.memory_space<vmem>> -> memref<128xi32, #tpu.memory_space<vmem>>
        %dma_wait3A_110 = arith.constant 0 : i32
        %dma_wait3A_111 = arith.constant 0 : i32
        %dma_wait3A_112 = tpu.memref_slice %arg3[%dma_wait3A_110, %dma_wait3A_111] : memref<100000x64xf32, #tpu.memory_space<hbm>> -> memref<100000x64xf32, #tpu.memory_space<hbm>>
        tpu.wait_indirect_dma semaphore(%arg7 : memref<!tpu.dma_semaphore, #tpu.memory_space<semaphore_mem>>) src(%dma_wait3A_112 : memref<100000x64xf32, #tpu.memory_space<hbm>>) dst(%dma_wait3A_106 : memref<128x64xf32, #tpu.memory_space<vmem>>)
        %sub3A = arith.constant 3 : i32
        %sub3A_113 = arith.subi %add3A_55, %sub3A : i32
        %mul3A_114 = arith.constant 128 : i32
        %mul3A_115 = arith.muli %sub3A_113, %mul3A_114 : i32
        %dma_start3A = arith.constant 3 : i32
        %dma_start3A_116 = arith.constant 0 : i32
        %dma_start3A_117 = arith.constant 0 : i32
        %dma_start3A_118 = tpu.memref_slice %arg6[%dma_start3A, %dma_start3A_116, %dma_start3A_117] : memref<4x128x64xf32, #tpu.memory_space<vmem>> -> memref<1x128x64xf32, #tpu.memory_space<vmem>>
        %dma_start3A_119 = tpu.memref_squeeze %dma_start3A_118 : memref<1x128x64xf32, #tpu.memory_space<vmem>> -> memref<128x64xf32, #tpu.memory_space<vmem>>
        %dma_start3A_120 = arith.constant 0 : i32
        %dma_start3A_121 = tpu.memref_slice %arg4[%add3A, %mul3A_115, %dma_start3A_120] : memref<32x25600x64xf32, #tpu.memory_space<hbm>> -> memref<1x128x64xf32, #tpu.memory_space<hbm>>
        %dma_start3A_122 = tpu.memref_squeeze %dma_start3A_121 : memref<1x128x64xf32, #tpu.memory_space<hbm>> -> memref<128x64xf32, #tpu.memory_space<hbm>>
        %dma_start3A_123 = arith.constant 0 : i32
        %dma_start3A_124 = tpu.memref_slice %arg4[%add3A, %mul3A_115, %dma_start3A_123] : memref<32x25600x64xf32, #tpu.memory_space<hbm>> -> memref<1x128x64xf32, #tpu.memory_space<hbm>>
        %dma_start3A_125 = tpu.memref_squeeze %dma_start3A_124 : memref<1x128x64xf32, #tpu.memory_space<hbm>> -> memref<128x64xf32, #tpu.memory_space<hbm>>
        %dma_start3A_126 = arith.constant 0 : i32
        %dma_start3A_127 = arith.constant 0 : i32
        %dma_start3A_128 = tpu.memref_slice %arg6[%dma_start3A, %dma_start3A_126, %dma_start3A_127] : memref<4x128x64xf32, #tpu.memory_space<vmem>> -> memref<1x128x64xf32, #tpu.memory_space<vmem>>
        %dma_start3A_129 = tpu.memref_squeeze %dma_start3A_128 : memref<1x128x64xf32, #tpu.memory_space<vmem>> -> memref<128x64xf32, #tpu.memory_space<vmem>>
        tpu.enqueue_dma source(%dma_start3A_129 : memref<128x64xf32, #tpu.memory_space<vmem>>) target(%dma_start3A_125 : memref<128x64xf32, #tpu.memory_space<hbm>>) target_semaphore(%arg8 : memref<!tpu.dma_semaphore, #tpu.memory_space<semaphore_mem>>)
      } else {
      }
      %mul3A_77 = arith.constant 4 : i32
      %mul3A_78 = arith.muli %scan3A_6, %mul3A_77 : i32
      %add3A_79 = arith.constant 3 : i32
      %add3A_80 = arith.addi %mul3A_78, %add3A_79 : i32
      %ge3A_81 = arith.constant 4 : i32
      %ge3A_82 = arith.cmpi sge, %add3A_80, %ge3A_81 : i32
      %lt3A_83 = arith.constant 204 : i32
      %lt3A_84 = arith.cmpi slt, %add3A_80, %lt3A_83 : i32
      %and3A_85 = arith.andi %ge3A_82, %lt3A_84 : i1
      %convert_element_type3A_86 = arith.extui %and3A_85 : i1 to i32
      %cond3A_87 = arith.constant 0 : i32
      %cond3A_88 = arith.cmpi ne, %convert_element_type3A_86, %cond3A_87 : i32
      scf.if %cond3A_88 {
        %dma_wait3A = arith.constant 0 : i32
        %dma_wait3A_102 = arith.constant 0 : i32
        %dma_wait3A_103 = arith.constant 0 : i32
        %dma_wait3A_104 = tpu.memref_slice %arg6[%dma_wait3A, %dma_wait3A_102, %dma_wait3A_103] : memref<4x128x64xf32, #tpu.memory_space<vmem>> -> memref<1x128x64xf32, #tpu.memory_space<vmem>>
        %dma_wait3A_105 = tpu.memref_squeeze %dma_wait3A_104 : memref<1x128x64xf32, #tpu.memory_space<vmem>> -> memref<128x64xf32, #tpu.memory_space<vmem>>
        %dma_wait3A_106 = arith.constant 0 : i32
        %dma_wait3A_107 = arith.constant 0 : i32
        %dma_wait3A_108 = tpu.memref_slice %arg4[%add3A, %dma_wait3A_106, %dma_wait3A_107] : memref<32x25600x64xf32, #tpu.memory_space<hbm>> -> memref<1x128x64xf32, #tpu.memory_space<hbm>>
        %dma_wait3A_109 = tpu.memref_squeeze %dma_wait3A_108 : memref<1x128x64xf32, #tpu.memory_space<hbm>> -> memref<128x64xf32, #tpu.memory_space<hbm>>
        %dma_wait3A_110 = arith.constant 0 : i32
        %dma_wait3A_111 = arith.constant 0 : i32
        %dma_wait3A_112 = tpu.memref_slice %arg4[%add3A, %dma_wait3A_110, %dma_wait3A_111] : memref<32x25600x64xf32, #tpu.memory_space<hbm>> -> memref<1x128x64xf32, #tpu.memory_space<hbm>>
        %dma_wait3A_113 = tpu.memref_squeeze %dma_wait3A_112 : memref<1x128x64xf32, #tpu.memory_space<hbm>> -> memref<128x64xf32, #tpu.memory_space<hbm>>
        %dma_wait3A_114 = arith.constant 0 : i32
        %dma_wait3A_115 = arith.constant 0 : i32
        %dma_wait3A_116 = tpu.memref_slice %arg6[%dma_wait3A, %dma_wait3A_114, %dma_wait3A_115] : memref<4x128x64xf32, #tpu.memory_space<vmem>> -> memref<1x128x64xf32, #tpu.memory_space<vmem>>
        %dma_wait3A_117 = tpu.memref_squeeze %dma_wait3A_116 : memref<1x128x64xf32, #tpu.memory_space<vmem>> -> memref<128x64xf32, #tpu.memory_space<vmem>>
        tpu.wait_dma2 semaphore(%arg8 : memref<!tpu.dma_semaphore, #tpu.memory_space<semaphore_mem>>) src(%dma_wait3A_117 : memref<128x64xf32, #tpu.memory_space<vmem>>) dst(%dma_wait3A_113 : memref<128x64xf32, #tpu.memory_space<hbm>>)
      } else {
      }
      %lt3A_89 = arith.constant 200 : i32
      %lt3A_90 = arith.cmpi slt, %add3A_80, %lt3A_89 : i32
      %convert_element_type3A_91 = arith.extui %lt3A_90 : i1 to i32
      %cond3A_92 = arith.constant 0 : i32
      %cond3A_93 = arith.cmpi ne, %convert_element_type3A_91, %cond3A_92 : i32
      scf.if %cond3A_93 {
        %dma_start3A = arith.constant 3 : i32
        %dma_start3A_102 = arith.constant 0 : i32
        %dma_start3A_103 = arith.constant 0 : i32
        %dma_start3A_104 = tpu.memref_slice %arg6[%dma_start3A, %dma_start3A_102, %dma_start3A_103] : memref<4x128x64xf32, #tpu.memory_space<vmem>> -> memref<1x128x64xf32, #tpu.memory_space<vmem>>
        %dma_start3A_105 = tpu.memref_squeeze %dma_start3A_104 : memref<1x128x64xf32, #tpu.memory_space<vmem>> -> memref<128x64xf32, #tpu.memory_space<vmem>>
        %dma_start3A_106 = arith.constant 0 : i32
        %dma_start3A_107 = tpu.memref_slice %arg5[%add3A_80, %dma_start3A_106] : memref<200x128xi32, #tpu.memory_space<vmem>> -> memref<1x128xi32, #tpu.memory_space<vmem>>
        %dma_start3A_108 = tpu.memref_squeeze %dma_start3A_107 : memref<1x128xi32, #tpu.memory_space<vmem>> -> memref<128xi32, #tpu.memory_space<vmem>>
        %dma_start3A_109 = arith.constant 0 : i32
        %dma_start3A_110 = arith.constant 0 : i32
        %dma_start3A_111 = tpu.memref_slice %arg3[%dma_start3A_109, %dma_start3A_110] : memref<100000x64xf32, #tpu.memory_space<hbm>> -> memref<100000x64xf32, #tpu.memory_space<hbm>>
        tpu.enqueue_indirect_dma source(%dma_start3A_111 : memref<100000x64xf32, #tpu.memory_space<hbm>>) target(%dma_start3A_105 : memref<128x64xf32, #tpu.memory_space<vmem>>) offsets(%dma_start3A_108 : memref<128xi32, #tpu.memory_space<vmem>>) semaphore(%arg7 : memref<!tpu.dma_semaphore, #tpu.memory_space<semaphore_mem>>)
      } else {
      }
      %ge3A_94 = arith.constant 3 : i32
      %ge3A_95 = arith.cmpi sge, %add3A_80, %ge3A_94 : i32
      %lt3A_96 = arith.constant 203 : i32
      %lt3A_97 = arith.cmpi slt, %add3A_80, %lt3A_96 : i32
      %and3A_98 = arith.andi %ge3A_95, %lt3A_97 : i1
      %convert_element_type3A_99 = arith.extui %and3A_98 : i1 to i32
      %cond3A_100 = arith.constant 0 : i32
      %cond3A_101 = arith.cmpi ne, %convert_element_type3A_99, %cond3A_100 : i32
      scf.if %cond3A_101 {
        %dma_wait3A = arith.constant 0 : i32
        %dma_wait3A_102 = arith.constant 0 : i32
        %dma_wait3A_103 = arith.constant 0 : i32
        %dma_wait3A_104 = arith.constant 0 : i32
        %dma_wait3A_105 = tpu.memref_slice %arg6[%dma_wait3A_102, %dma_wait3A_103, %dma_wait3A_104] : memref<4x128x64xf32, #tpu.memory_space<vmem>> -> memref<1x128x64xf32, #tpu.memory_space<vmem>>
        %dma_wait3A_106 = tpu.memref_squeeze %dma_wait3A_105 : memref<1x128x64xf32, #tpu.memory_space<vmem>> -> memref<128x64xf32, #tpu.memory_space<vmem>>
        %dma_wait3A_107 = arith.constant 0 : i32
        %dma_wait3A_108 = tpu.memref_slice %arg5[%dma_wait3A, %dma_wait3A_107] : memref<200x128xi32, #tpu.memory_space<vmem>> -> memref<1x128xi32, #tpu.memory_space<vmem>>
        %dma_wait3A_109 = tpu.memref_squeeze %dma_wait3A_108 : memref<1x128xi32, #tpu.memory_space<vmem>> -> memref<128xi32, #tpu.memory_space<vmem>>
        %dma_wait3A_110 = arith.constant 0 : i32
        %dma_wait3A_111 = arith.constant 0 : i32
        %dma_wait3A_112 = tpu.memref_slice %arg3[%dma_wait3A_110, %dma_wait3A_111] : memref<100000x64xf32, #tpu.memory_space<hbm>> -> memref<100000x64xf32, #tpu.memory_space<hbm>>
        tpu.wait_indirect_dma semaphore(%arg7 : memref<!tpu.dma_semaphore, #tpu.memory_space<semaphore_mem>>) src(%dma_wait3A_112 : memref<100000x64xf32, #tpu.memory_space<hbm>>) dst(%dma_wait3A_106 : memref<128x64xf32, #tpu.memory_space<vmem>>)
        %sub3A = arith.constant 3 : i32
        %sub3A_113 = arith.subi %add3A_80, %sub3A : i32
        %mul3A_114 = arith.constant 128 : i32
        %mul3A_115 = arith.muli %sub3A_113, %mul3A_114 : i32
        %dma_start3A = arith.constant 0 : i32
        %dma_start3A_116 = arith.constant 0 : i32
        %dma_start3A_117 = arith.constant 0 : i32
        %dma_start3A_118 = tpu.memref_slice %arg6[%dma_start3A, %dma_start3A_116, %dma_start3A_117] : memref<4x128x64xf32, #tpu.memory_space<vmem>> -> memref<1x128x64xf32, #tpu.memory_space<vmem>>
        %dma_start3A_119 = tpu.memref_squeeze %dma_start3A_118 : memref<1x128x64xf32, #tpu.memory_space<vmem>> -> memref<128x64xf32, #tpu.memory_space<vmem>>
        %dma_start3A_120 = arith.constant 0 : i32
        %dma_start3A_121 = tpu.memref_slice %arg4[%add3A, %mul3A_115, %dma_start3A_120] : memref<32x25600x64xf32, #tpu.memory_space<hbm>> -> memref<1x128x64xf32, #tpu.memory_space<hbm>>
        %dma_start3A_122 = tpu.memref_squeeze %dma_start3A_121 : memref<1x128x64xf32, #tpu.memory_space<hbm>> -> memref<128x64xf32, #tpu.memory_space<hbm>>
        %dma_start3A_123 = arith.constant 0 : i32
        %dma_start3A_124 = tpu.memref_slice %arg4[%add3A, %mul3A_115, %dma_start3A_123] : memref<32x25600x64xf32, #tpu.memory_space<hbm>> -> memref<1x128x64xf32, #tpu.memory_space<hbm>>
        %dma_start3A_125 = tpu.memref_squeeze %dma_start3A_124 : memref<1x128x64xf32, #tpu.memory_space<hbm>> -> memref<128x64xf32, #tpu.memory_space<hbm>>
        %dma_start3A_126 = arith.constant 0 : i32
        %dma_start3A_127 = arith.constant 0 : i32
        %dma_start3A_128 = tpu.memref_slice %arg6[%dma_start3A, %dma_start3A_126, %dma_start3A_127] : memref<4x128x64xf32, #tpu.memory_space<vmem>> -> memref<1x128x64xf32, #tpu.memory_space<vmem>>
        %dma_start3A_129 = tpu.memref_squeeze %dma_start3A_128 : memref<1x128x64xf32, #tpu.memory_space<vmem>> -> memref<128x64xf32, #tpu.memory_space<vmem>>
        tpu.enqueue_dma source(%dma_start3A_129 : memref<128x64xf32, #tpu.memory_space<vmem>>) target(%dma_start3A_125 : memref<128x64xf32, #tpu.memory_space<hbm>>) target_semaphore(%arg8 : memref<!tpu.dma_semaphore, #tpu.memory_space<semaphore_mem>>)
      } else {
      }
    }
    %scan3A_5 = arith.constant 52 : i32
    return
  }
}

module attributes {stable_mosaic.version = 14 : i64} {
  func.func @_sample_kl_body(%arg0: i32, %arg1: memref<64x4096xf32, #tpu.memory_space<vmem>>, %arg2: memref<64x4096xf32, #tpu.memory_space<vmem>>, %arg3: memref<1x3xf32, #tpu.memory_space<smem>>, %arg4: memref<1x2xi32, #tpu.memory_space<smem>>, %arg5: memref<4096x64xf32, #tpu.memory_space<vmem>>, %arg6: memref<1x1xf32, #tpu.memory_space<smem>>) attributes {dimension_semantics = [#tpu.dimension_semantics<arbitrary>], iteration_bounds = array<i64: 25>, scalar_prefetch = 0 : i64, scratch_operands = 0 : i64, tpu.core_type = #tpu.core_type<tc>, window_params = [{transform_indices = @transform_0, window_bounds = array<i64: 64, 4096>}, {transform_indices = @transform_1, window_bounds = array<i64: 64, 4096>}, {transform_indices = @transform_2, window_bounds = array<i64: 1, 3>}, {transform_indices = @transform_3, window_bounds = array<i64: 1, 2>}, {transform_indices = @transform_4, window_bounds = array<i64: 4096, 64>}, {transform_indices = @transform_5, window_bounds = array<i64: 1, 1>}]} {
    %get3A = arith.constant 0 : index
    %get3A_0 = arith.constant 0 : index
    %get3A_1 = memref.load %arg4[%get3A, %get3A_0] : memref<1x2xi32, #tpu.memory_space<smem>>
    %mul3A = arith.constant -1640531527 : i32
    %mul3A_2 = arith.muli %arg0, %mul3A : i32
    %xor3A = arith.xori %get3A_1, %mul3A_2 : i32
    %get3A_3 = arith.constant 0 : index
    %get3A_4 = arith.constant 1 : index
    %get3A_5 = memref.load %arg4[%get3A_3, %get3A_4] : memref<1x2xi32, #tpu.memory_space<smem>>
    "tpu.prng_set_seed_32"(%xor3A, %get3A_5) : (i32, i32) -> ()
    %get3A_6 = arith.constant 0 : index
    %get3A_7 = arith.constant 0 : index
    %get3A_8 = vector.load %arg1[%get3A_6, %get3A_7] : memref<64x4096xf32, #tpu.memory_space<vmem>>, vector<64x4096xf32>
    %get3A_9 = arith.constant 0 : index
    %get3A_10 = arith.constant 0 : index
    %get3A_11 = vector.load %arg2[%get3A_9, %get3A_10] : memref<64x4096xf32, #tpu.memory_space<vmem>>, vector<64x4096xf32>
    %max3A = arith.constant 0.000000e+00 : f32
    %max3A_12 = vector.broadcast %max3A : f32 to vector<64x4096xf32>
    %max3A_13 = arith.maximumf %get3A_11, %max3A_12 : vector<64x4096xf32>
    %abs3A = math.absf %get3A_11 : vector<64x4096xf32>
    %neg3A = arith.constant 0.000000e+00 : f32
    %neg3A_14 = vector.broadcast %neg3A : f32 to vector<64x4096xf32>
    %neg3A_15 = arith.subf %neg3A_14, %abs3A : vector<64x4096xf32>
    %exp3A = math.exp %neg3A_15 : vector<64x4096xf32>
    %log1p3A = math.log1p %exp3A : vector<64x4096xf32>
    %add3A = arith.addf %max3A_13, %log1p3A : vector<64x4096xf32>
    %prng_random_bits3A = "tpu.prng_random_bits"() : () -> vector<64x4096xi32>
    %bitcast3A = tpu.bitcast %prng_random_bits3A : vector<64x4096xi32> -> vector<64x4096xi32>
    %and3A = arith.constant 255 : i32
    %and3A_16 = vector.broadcast %and3A : i32 to vector<64x4096xi32>
    %and3A_17 = arith.andi %bitcast3A, %and3A_16 : vector<64x4096xi32>
    %shift_right_logical3A = arith.constant 8 : i32
    %shift_right_logical3A_18 = vector.broadcast %shift_right_logical3A : i32 to vector<64x4096xi32>
    %shift_right_logical3A_19 = arith.shrui %bitcast3A, %shift_right_logical3A_18 : vector<64x4096xi32>
    %and3A_20 = arith.constant 255 : i32
    %and3A_21 = vector.broadcast %and3A_20 : i32 to vector<64x4096xi32>
    %and3A_22 = arith.andi %shift_right_logical3A_19, %and3A_21 : vector<64x4096xi32>
    %add3A_23 = arith.addi %and3A_17, %and3A_22 : vector<64x4096xi32>
    %shift_right_logical3A_24 = arith.constant 16 : i32
    %shift_right_logical3A_25 = vector.broadcast %shift_right_logical3A_24 : i32 to vector<64x4096xi32>
    %shift_right_logical3A_26 = arith.shrui %bitcast3A, %shift_right_logical3A_25 : vector<64x4096xi32>
    %and3A_27 = arith.constant 255 : i32
    %and3A_28 = vector.broadcast %and3A_27 : i32 to vector<64x4096xi32>
    %and3A_29 = arith.andi %shift_right_logical3A_26, %and3A_28 : vector<64x4096xi32>
    %add3A_30 = arith.addi %add3A_23, %and3A_29 : vector<64x4096xi32>
    %shift_right_logical3A_31 = arith.constant 24 : i32
    %shift_right_logical3A_32 = vector.broadcast %shift_right_logical3A_31 : i32 to vector<64x4096xi32>
    %shift_right_logical3A_33 = arith.shrui %bitcast3A, %shift_right_logical3A_32 : vector<64x4096xi32>
    %add3A_34 = arith.addi %add3A_30, %shift_right_logical3A_33 : vector<64x4096xi32>
    %convert_element_type3A = arith.sitofp %add3A_34 : vector<64x4096xi32> to vector<64x4096xf32>
    %sub3A = arith.constant 5.100000e+02 : f32
    %sub3A_35 = vector.broadcast %sub3A : f32 to vector<64x4096xf32>
    %sub3A_36 = arith.subf %convert_element_type3A, %sub3A_35 : vector<64x4096xf32>
    %mul3A_37 = arith.constant 0.0067659365 : f32
    %mul3A_38 = vector.broadcast %mul3A_37 : f32 to vector<64x4096xf32>
    %mul3A_39 = arith.mulf %sub3A_36, %mul3A_38 : vector<64x4096xf32>
    %mul3A_40 = arith.mulf %add3A, %mul3A_39 : vector<64x4096xf32>
    %add3A_41 = arith.addf %get3A_8, %mul3A_40 : vector<64x4096xf32>
    %transpose3A = tpu.transpose %add3A_41, [1, 0] : vector<64x4096xf32> -> vector<4096x64xf32>
    %swap3A = arith.constant 0 : index
    %swap3A_42 = arith.constant 0 : index
    %swap3A_43 = vector.load %arg5[%swap3A, %swap3A_42] : memref<4096x64xf32, #tpu.memory_space<vmem>>, vector<4096x64xf32>
    tpu.vector_store %arg5[%swap3A, %swap3A_42], %transpose3A {strides = array<i32>} : memref<4096x64xf32, #tpu.memory_space<vmem>>, vector<4096x64xf32>,
    %get3A_44 = arith.constant 0 : index
    %get3A_45 = arith.constant 0 : index
    %get3A_46 = memref.load %arg3[%get3A_44, %get3A_45] : memref<1x3xf32, #tpu.memory_space<smem>>
    %get3A_47 = arith.constant 0 : index
    %get3A_48 = arith.constant 1 : index
    %get3A_49 = memref.load %arg3[%get3A_47, %get3A_48] : memref<1x3xf32, #tpu.memory_space<smem>>
    %get3A_50 = arith.constant 0 : index
    %get3A_51 = arith.constant 2 : index
    %get3A_52 = memref.load %arg3[%get3A_50, %get3A_51] : memref<1x3xf32, #tpu.memory_space<smem>>
    %mul3A_53 = arith.mulf %add3A, %add3A : vector<64x4096xf32>
    %sub3A_54 = vector.broadcast %get3A_46 : f32 to vector<64x4096xf32>
    %sub3A_55 = arith.subf %get3A_8, %sub3A_54 : vector<64x4096xf32>
    %mul3A_56 = arith.mulf %sub3A_55, %sub3A_55 : vector<64x4096xf32>
    %add3A_57 = arith.addf %mul3A_53, %mul3A_56 : vector<64x4096xf32>
    %mul3A_58 = vector.broadcast %get3A_49 : f32 to vector<64x4096xf32>
    %mul3A_59 = arith.mulf %add3A_57, %mul3A_58 : vector<64x4096xf32>
    %add3A_60 = arith.constant 9.99999971E-10 : f32
    %add3A_61 = vector.broadcast %add3A_60 : f32 to vector<64x4096xf32>
    %add3A_62 = arith.addf %mul3A_53, %add3A_61 : vector<64x4096xf32>
    %log3A = math.log %add3A_62 : vector<64x4096xf32>
    %sub3A_63 = arith.subf %mul3A_59, %log3A : vector<64x4096xf32>
    %mul3A_64 = arith.constant 4096 : i32
    %mul3A_65 = arith.muli %arg0, %mul3A_64 : i32
    %iota3A = tpu.iota {dimensions = array<i32: 1>} : vector<64x4096xi32>
    %add3A_66 = vector.broadcast %mul3A_65 : i32 to vector<64x4096xi32>
    %add3A_67 = arith.addi %add3A_66, %iota3A : vector<64x4096xi32>
    %lt3A = arith.constant 100000 : i32
    %lt3A_68 = vector.broadcast %lt3A : i32 to vector<64x4096xi32>
    %lt3A_69 = arith.cmpi slt, %add3A_67, %lt3A_68 : vector<64x4096xi32>
    %jit3A = arith.constant 0.000000e+00 : f32
    %broadcast_in_dim3A = vector.broadcast %jit3A : f32 to vector<64x4096xf32>
    %select_n3A = arith.select %lt3A_69, %sub3A_63, %broadcast_in_dim3A : vector<64x4096xi1>, vector<64x4096xf32>
    %reduce_sum3A = vector.shape_cast %select_n3A : vector<64x4096xf32> to vector<1x64x4096xf32>
    %reduce_sum3A_70 = arith.constant dense<0.000000e+00> : vector<1xf32>
    %reduce_sum3A_71 = vector.multi_reduction <add>, %reduce_sum3A, %reduce_sum3A_70 [1, 2] : vector<1x64x4096xf32> to vector<1xf32>
    %reduce_sum3A_72 = vector.shape_cast %reduce_sum3A_71 : vector<1xf32> to vector<1x1x1xf32>
    %reduce_sum3A_73 = vector.extract %reduce_sum3A_72[0, 0, 0] : f32 from vector<1x1x1xf32>
    %eq3A = arith.constant 0 : i32
    %eq3A_74 = arith.cmpi eq, %arg0, %eq3A : i32
    %convert_element_type3A_75 = arith.extui %eq3A_74 : i1 to i32
    %cond3A = arith.constant 0 : i32
    %cond3A_76 = arith.cmpi ne, %convert_element_type3A_75, %cond3A : i32
    scf.if %cond3A_76 {
      %swap3A_89 = arith.constant 0.000000e+00 : f32
      %swap3A_90 = arith.constant 0 : index
      %swap3A_91 = arith.constant 0 : index
      %swap3A_92 = memref.load %arg6[%swap3A_90, %swap3A_91] : memref<1x1xf32, #tpu.memory_space<smem>>
      memref.store %swap3A_89, %arg6[%swap3A_90, %swap3A_91] : memref<1x1xf32, #tpu.memory_space<smem>>
    } else {
    }
    %get3A_77 = arith.constant 0 : index
    %get3A_78 = arith.constant 0 : index
    %get3A_79 = memref.load %arg6[%get3A_77, %get3A_78] : memref<1x1xf32, #tpu.memory_space<smem>>
    %add3A_80 = arith.addf %get3A_79, %reduce_sum3A_73 : f32
    %swap3A_81 = arith.constant 0 : index
    %swap3A_82 = arith.constant 0 : index
    %swap3A_83 = memref.load %arg6[%swap3A_81, %swap3A_82] : memref<1x1xf32, #tpu.memory_space<smem>>
    memref.store %add3A_80, %arg6[%swap3A_81, %swap3A_82] : memref<1x1xf32, #tpu.memory_space<smem>>
    %eq3A_84 = arith.constant 24 : i32
    %eq3A_85 = arith.cmpi eq, %arg0, %eq3A_84 : i32
    %convert_element_type3A_86 = arith.extui %eq3A_85 : i1 to i32
    %cond3A_87 = arith.constant 0 : i32
    %cond3A_88 = arith.cmpi ne, %convert_element_type3A_86, %cond3A_87 : i32
    scf.if %cond3A_88 {
      %get3A_89 = arith.constant 0 : index
      %get3A_90 = arith.constant 0 : index
      %get3A_91 = memref.load %arg6[%get3A_89, %get3A_90] : memref<1x1xf32, #tpu.memory_space<smem>>
      %add3A_92 = arith.addf %get3A_91, %get3A_52 : f32
      %mul3A_93 = arith.constant 5.000000e-01 : f32
      %mul3A_94 = arith.mulf %mul3A_93, %add3A_92 : f32
      %swap3A_95 = arith.constant 0 : index
      %swap3A_96 = arith.constant 0 : index
      %swap3A_97 = memref.load %arg6[%swap3A_95, %swap3A_96] : memref<1x1xf32, #tpu.memory_space<smem>>
      memref.store %mul3A_94, %arg6[%swap3A_95, %swap3A_96] : memref<1x1xf32, #tpu.memory_space<smem>>
    } else {
    }
    return
  }
  func.func @transform_0(%arg0: i32) -> (i32, i32) {
    %c0_i32 = arith.constant 0 : i32
    %c0_i32_0 = arith.constant 0 : i32
    return %c0_i32, %arg0 : i32, i32
  }
  func.func @transform_1(%arg0: i32) -> (i32, i32) {
    %c0_i32 = arith.constant 0 : i32
    %c0_i32_0 = arith.constant 0 : i32
    return %c0_i32, %arg0 : i32, i32
  }
  func.func @transform_2(%arg0: i32) -> (i32, i32) {
    %c0_i32 = arith.constant 0 : i32
    %c0_i32_0 = arith.constant 0 : i32
    %c0_i32_1 = arith.constant 0 : i32
    return %c0_i32, %c0_i32_0 : i32, i32
  }
  func.func @transform_3(%arg0: i32) -> (i32, i32) {
    %c0_i32 = arith.constant 0 : i32
    %c0_i32_0 = arith.constant 0 : i32
    %c0_i32_1 = arith.constant 0 : i32
    return %c0_i32, %c0_i32_0 : i32, i32
  }
  func.func @transform_4(%arg0: i32) -> (i32, i32) {
    %c0_i32 = arith.constant 0 : i32
    %c0_i32_0 = arith.constant 0 : i32
    return %arg0, %c0_i32 : i32, i32
  }
  func.func @transform_5(%arg0: i32) -> (i32, i32) {
    %c0_i32 = arith.constant 0 : i32
    %c0_i32_0 = arith.constant 0 : i32
    %c0_i32_1 = arith.constant 0 : i32
    return %c0_i32, %c0_i32_0 : i32, i32
  }
}

module attributes {stable_mosaic.version = 14 : i64} {
  func.func @_tr_body(%arg0: i32, %arg1: memref<8x2048x128xf32, #tpu.memory_space<vmem>>, %arg2: memref<8x64x4096xf32, #tpu.memory_space<vmem>>) attributes {dimension_semantics = [#tpu.dimension_semantics<parallel>], iteration_bounds = array<i64: 25>, scalar_prefetch = 0 : i64, scratch_operands = 0 : i64, tpu.core_type = #tpu.core_type<tc>, window_params = [{transform_indices = @transform_0, window_bounds = array<i64: 8, 2048, 128>}, {transform_indices = @transform_1, window_bounds = array<i64: 8, 64, 4096>}]} {
    %get3A = arith.constant 0 : index
    %get3A_0 = arith.constant 0 : index
    %get3A_1 = arith.constant 0 : index
    %get3A_2 = vector.load %arg1[%get3A, %get3A_0, %get3A_1] : memref<8x2048x128xf32, #tpu.memory_space<vmem>>, vector<1x2048x128xf32>
    %get3A_3 = vector.shape_cast %get3A_2 : vector<1x2048x128xf32> to vector<2048x128xf32>
    %transpose3A = tpu.transpose %get3A_3, [1, 0] : vector<2048x128xf32> -> vector<128x2048xf32>
    %slice3A = vector.extract_strided_slice %transpose3A {offsets = [0, 0], sizes = [64, 2048], strides = [1, 1]} : vector<128x2048xf32> to vector<64x2048xf32>
    %swap3A = arith.constant 0 : index
    %swap3A_4 = arith.constant 0 : index
    %swap3A_5 = arith.constant 0 : index
    %swap3A_6 = vector.load %arg2[%swap3A, %swap3A_4, %swap3A_5] : memref<8x64x4096xf32, #tpu.memory_space<vmem>>, vector<1x64x2048xf32>
    %swap3A_7 = vector.shape_cast %swap3A_6 : vector<1x64x2048xf32> to vector<64x2048xf32>
    %swap3A_8 = vector.shape_cast %slice3A : vector<64x2048xf32> to vector<1x64x2048xf32>
    tpu.vector_store %arg2[%swap3A, %swap3A_4, %swap3A_5], %swap3A_8 {strides = array<i32>} : memref<8x64x4096xf32, #tpu.memory_space<vmem>>, vector<1x64x2048xf32>,
    %slice3A_9 = vector.extract_strided_slice %transpose3A {offsets = [64, 0], sizes = [64, 2048], strides = [1, 1]} : vector<128x2048xf32> to vector<64x2048xf32>
    %swap3A_10 = arith.constant 0 : index
    %swap3A_11 = arith.constant 0 : index
    %swap3A_12 = arith.constant 2048 : index
    %swap3A_13 = vector.load %arg2[%swap3A_10, %swap3A_11, %swap3A_12] : memref<8x64x4096xf32, #tpu.memory_space<vmem>>, vector<1x64x2048xf32>
    %swap3A_14 = vector.shape_cast %swap3A_13 : vector<1x64x2048xf32> to vector<64x2048xf32>
    %swap3A_15 = vector.shape_cast %slice3A_9 : vector<64x2048xf32> to vector<1x64x2048xf32>
    tpu.vector_store %arg2[%swap3A_10, %swap3A_11, %swap3A_12], %swap3A_15 {strides = array<i32>} : memref<8x64x4096xf32, #tpu.memory_space<vmem>>, vector<1x64x2048xf32>,
    %get3A_16 = arith.constant 1 : index
    %get3A_17 = arith.constant 0 : index
    %get3A_18 = arith.constant 0 : index
    %get3A_19 = vector.load %arg1[%get3A_16, %get3A_17, %get3A_18] : memref<8x2048x128xf32, #tpu.memory_space<vmem>>, vector<1x2048x128xf32>
    %get3A_20 = vector.shape_cast %get3A_19 : vector<1x2048x128xf32> to vector<2048x128xf32>
    %transpose3A_21 = tpu.transpose %get3A_20, [1, 0] : vector<2048x128xf32> -> vector<128x2048xf32>
    %slice3A_22 = vector.extract_strided_slice %transpose3A_21 {offsets = [0, 0], sizes = [64, 2048], strides = [1, 1]} : vector<128x2048xf32> to vector<64x2048xf32>
    %swap3A_23 = arith.constant 1 : index
    %swap3A_24 = arith.constant 0 : index
    %swap3A_25 = arith.constant 0 : index
    %swap3A_26 = vector.load %arg2[%swap3A_23, %swap3A_24, %swap3A_25] : memref<8x64x4096xf32, #tpu.memory_space<vmem>>, vector<1x64x2048xf32>
    %swap3A_27 = vector.shape_cast %swap3A_26 : vector<1x64x2048xf32> to vector<64x2048xf32>
    %swap3A_28 = vector.shape_cast %slice3A_22 : vector<64x2048xf32> to vector<1x64x2048xf32>
    tpu.vector_store %arg2[%swap3A_23, %swap3A_24, %swap3A_25], %swap3A_28 {strides = array<i32>} : memref<8x64x4096xf32, #tpu.memory_space<vmem>>, vector<1x64x2048xf32>,
    %slice3A_29 = vector.extract_strided_slice %transpose3A_21 {offsets = [64, 0], sizes = [64, 2048], strides = [1, 1]} : vector<128x2048xf32> to vector<64x2048xf32>
    %swap3A_30 = arith.constant 1 : index
    %swap3A_31 = arith.constant 0 : index
    %swap3A_32 = arith.constant 2048 : index
    %swap3A_33 = vector.load %arg2[%swap3A_30, %swap3A_31, %swap3A_32] : memref<8x64x4096xf32, #tpu.memory_space<vmem>>, vector<1x64x2048xf32>
    %swap3A_34 = vector.shape_cast %swap3A_33 : vector<1x64x2048xf32> to vector<64x2048xf32>
    %swap3A_35 = vector.shape_cast %slice3A_29 : vector<64x2048xf32> to vector<1x64x2048xf32>
    tpu.vector_store %arg2[%swap3A_30, %swap3A_31, %swap3A_32], %swap3A_35 {strides = array<i32>} : memref<8x64x4096xf32, #tpu.memory_space<vmem>>, vector<1x64x2048xf32>,
    %get3A_36 = arith.constant 2 : index
    %get3A_37 = arith.constant 0 : index
    %get3A_38 = arith.constant 0 : index
    %get3A_39 = vector.load %arg1[%get3A_36, %get3A_37, %get3A_38] : memref<8x2048x128xf32, #tpu.memory_space<vmem>>, vector<1x2048x128xf32>
    %get3A_40 = vector.shape_cast %get3A_39 : vector<1x2048x128xf32> to vector<2048x128xf32>
    %transpose3A_41 = tpu.transpose %get3A_40, [1, 0] : vector<2048x128xf32> -> vector<128x2048xf32>
    %slice3A_42 = vector.extract_strided_slice %transpose3A_41 {offsets = [0, 0], sizes = [64, 2048], strides = [1, 1]} : vector<128x2048xf32> to vector<64x2048xf32>
    %swap3A_43 = arith.constant 2 : index
    %swap3A_44 = arith.constant 0 : index
    %swap3A_45 = arith.constant 0 : index
    %swap3A_46 = vector.load %arg2[%swap3A_43, %swap3A_44, %swap3A_45] : memref<8x64x4096xf32, #tpu.memory_space<vmem>>, vector<1x64x2048xf32>
    %swap3A_47 = vector.shape_cast %swap3A_46 : vector<1x64x2048xf32> to vector<64x2048xf32>
    %swap3A_48 = vector.shape_cast %slice3A_42 : vector<64x2048xf32> to vector<1x64x2048xf32>
    tpu.vector_store %arg2[%swap3A_43, %swap3A_44, %swap3A_45], %swap3A_48 {strides = array<i32>} : memref<8x64x4096xf32, #tpu.memory_space<vmem>>, vector<1x64x2048xf32>,
    %slice3A_49 = vector.extract_strided_slice %transpose3A_41 {offsets = [64, 0], sizes = [64, 2048], strides = [1, 1]} : vector<128x2048xf32> to vector<64x2048xf32>
    %swap3A_50 = arith.constant 2 : index
    %swap3A_51 = arith.constant 0 : index
    %swap3A_52 = arith.constant 2048 : index
    %swap3A_53 = vector.load %arg2[%swap3A_50, %swap3A_51, %swap3A_52] : memref<8x64x4096xf32, #tpu.memory_space<vmem>>, vector<1x64x2048xf32>
    %swap3A_54 = vector.shape_cast %swap3A_53 : vector<1x64x2048xf32> to vector<64x2048xf32>
    %swap3A_55 = vector.shape_cast %slice3A_49 : vector<64x2048xf32> to vector<1x64x2048xf32>
    tpu.vector_store %arg2[%swap3A_50, %swap3A_51, %swap3A_52], %swap3A_55 {strides = array<i32>} : memref<8x64x4096xf32, #tpu.memory_space<vmem>>, vector<1x64x2048xf32>,
    %get3A_56 = arith.constant 3 : index
    %get3A_57 = arith.constant 0 : index
    %get3A_58 = arith.constant 0 : index
    %get3A_59 = vector.load %arg1[%get3A_56, %get3A_57, %get3A_58] : memref<8x2048x128xf32, #tpu.memory_space<vmem>>, vector<1x2048x128xf32>
    %get3A_60 = vector.shape_cast %get3A_59 : vector<1x2048x128xf32> to vector<2048x128xf32>
    %transpose3A_61 = tpu.transpose %get3A_60, [1, 0] : vector<2048x128xf32> -> vector<128x2048xf32>
    %slice3A_62 = vector.extract_strided_slice %transpose3A_61 {offsets = [0, 0], sizes = [64, 2048], strides = [1, 1]} : vector<128x2048xf32> to vector<64x2048xf32>
    %swap3A_63 = arith.constant 3 : index
    %swap3A_64 = arith.constant 0 : index
    %swap3A_65 = arith.constant 0 : index
    %swap3A_66 = vector.load %arg2[%swap3A_63, %swap3A_64, %swap3A_65] : memref<8x64x4096xf32, #tpu.memory_space<vmem>>, vector<1x64x2048xf32>
    %swap3A_67 = vector.shape_cast %swap3A_66 : vector<1x64x2048xf32> to vector<64x2048xf32>
    %swap3A_68 = vector.shape_cast %slice3A_62 : vector<64x2048xf32> to vector<1x64x2048xf32>
    tpu.vector_store %arg2[%swap3A_63, %swap3A_64, %swap3A_65], %swap3A_68 {strides = array<i32>} : memref<8x64x4096xf32, #tpu.memory_space<vmem>>, vector<1x64x2048xf32>,
    %slice3A_69 = vector.extract_strided_slice %transpose3A_61 {offsets = [64, 0], sizes = [64, 2048], strides = [1, 1]} : vector<128x2048xf32> to vector<64x2048xf32>
    %swap3A_70 = arith.constant 3 : index
    %swap3A_71 = arith.constant 0 : index
    %swap3A_72 = arith.constant 2048 : index
    %swap3A_73 = vector.load %arg2[%swap3A_70, %swap3A_71, %swap3A_72] : memref<8x64x4096xf32, #tpu.memory_space<vmem>>, vector<1x64x2048xf32>
    %swap3A_74 = vector.shape_cast %swap3A_73 : vector<1x64x2048xf32> to vector<64x2048xf32>
    %swap3A_75 = vector.shape_cast %slice3A_69 : vector<64x2048xf32> to vector<1x64x2048xf32>
    tpu.vector_store %arg2[%swap3A_70, %swap3A_71, %swap3A_72], %swap3A_75 {strides = array<i32>} : memref<8x64x4096xf32, #tpu.memory_space<vmem>>, vector<1x64x2048xf32>,
    %get3A_76 = arith.constant 4 : index
    %get3A_77 = arith.constant 0 : index
    %get3A_78 = arith.constant 0 : index
    %get3A_79 = vector.load %arg1[%get3A_76, %get3A_77, %get3A_78] : memref<8x2048x128xf32, #tpu.memory_space<vmem>>, vector<1x2048x128xf32>
    %get3A_80 = vector.shape_cast %get3A_79 : vector<1x2048x128xf32> to vector<2048x128xf32>
    %transpose3A_81 = tpu.transpose %get3A_80, [1, 0] : vector<2048x128xf32> -> vector<128x2048xf32>
    %slice3A_82 = vector.extract_strided_slice %transpose3A_81 {offsets = [0, 0], sizes = [64, 2048], strides = [1, 1]} : vector<128x2048xf32> to vector<64x2048xf32>
    %swap3A_83 = arith.constant 4 : index
    %swap3A_84 = arith.constant 0 : index
    %swap3A_85 = arith.constant 0 : index
    %swap3A_86 = vector.load %arg2[%swap3A_83, %swap3A_84, %swap3A_85] : memref<8x64x4096xf32, #tpu.memory_space<vmem>>, vector<1x64x2048xf32>
    %swap3A_87 = vector.shape_cast %swap3A_86 : vector<1x64x2048xf32> to vector<64x2048xf32>
    %swap3A_88 = vector.shape_cast %slice3A_82 : vector<64x2048xf32> to vector<1x64x2048xf32>
    tpu.vector_store %arg2[%swap3A_83, %swap3A_84, %swap3A_85], %swap3A_88 {strides = array<i32>} : memref<8x64x4096xf32, #tpu.memory_space<vmem>>, vector<1x64x2048xf32>,
    %slice3A_89 = vector.extract_strided_slice %transpose3A_81 {offsets = [64, 0], sizes = [64, 2048], strides = [1, 1]} : vector<128x2048xf32> to vector<64x2048xf32>
    %swap3A_90 = arith.constant 4 : index
    %swap3A_91 = arith.constant 0 : index
    %swap3A_92 = arith.constant 2048 : index
    %swap3A_93 = vector.load %arg2[%swap3A_90, %swap3A_91, %swap3A_92] : memref<8x64x4096xf32, #tpu.memory_space<vmem>>, vector<1x64x2048xf32>
    %swap3A_94 = vector.shape_cast %swap3A_93 : vector<1x64x2048xf32> to vector<64x2048xf32>
    %swap3A_95 = vector.shape_cast %slice3A_89 : vector<64x2048xf32> to vector<1x64x2048xf32>
    tpu.vector_store %arg2[%swap3A_90, %swap3A_91, %swap3A_92], %swap3A_95 {strides = array<i32>} : memref<8x64x4096xf32, #tpu.memory_space<vmem>>, vector<1x64x2048xf32>,
    %get3A_96 = arith.constant 5 : index
    %get3A_97 = arith.constant 0 : index
    %get3A_98 = arith.constant 0 : index
    %get3A_99 = vector.load %arg1[%get3A_96, %get3A_97, %get3A_98] : memref<8x2048x128xf32, #tpu.memory_space<vmem>>, vector<1x2048x128xf32>
    %get3A_100 = vector.shape_cast %get3A_99 : vector<1x2048x128xf32> to vector<2048x128xf32>
    %transpose3A_101 = tpu.transpose %get3A_100, [1, 0] : vector<2048x128xf32> -> vector<128x2048xf32>
    %slice3A_102 = vector.extract_strided_slice %transpose3A_101 {offsets = [0, 0], sizes = [64, 2048], strides = [1, 1]} : vector<128x2048xf32> to vector<64x2048xf32>
    %swap3A_103 = arith.constant 5 : index
    %swap3A_104 = arith.constant 0 : index
    %swap3A_105 = arith.constant 0 : index
    %swap3A_106 = vector.load %arg2[%swap3A_103, %swap3A_104, %swap3A_105] : memref<8x64x4096xf32, #tpu.memory_space<vmem>>, vector<1x64x2048xf32>
    %swap3A_107 = vector.shape_cast %swap3A_106 : vector<1x64x2048xf32> to vector<64x2048xf32>
    %swap3A_108 = vector.shape_cast %slice3A_102 : vector<64x2048xf32> to vector<1x64x2048xf32>
    tpu.vector_store %arg2[%swap3A_103, %swap3A_104, %swap3A_105], %swap3A_108 {strides = array<i32>} : memref<8x64x4096xf32, #tpu.memory_space<vmem>>, vector<1x64x2048xf32>,
    %slice3A_109 = vector.extract_strided_slice %transpose3A_101 {offsets = [64, 0], sizes = [64, 2048], strides = [1, 1]} : vector<128x2048xf32> to vector<64x2048xf32>
    %swap3A_110 = arith.constant 5 : index
    %swap3A_111 = arith.constant 0 : index
    %swap3A_112 = arith.constant 2048 : index
    %swap3A_113 = vector.load %arg2[%swap3A_110, %swap3A_111, %swap3A_112] : memref<8x64x4096xf32, #tpu.memory_space<vmem>>, vector<1x64x2048xf32>
    %swap3A_114 = vector.shape_cast %swap3A_113 : vector<1x64x2048xf32> to vector<64x2048xf32>
    %swap3A_115 = vector.shape_cast %slice3A_109 : vector<64x2048xf32> to vector<1x64x2048xf32>
    tpu.vector_store %arg2[%swap3A_110, %swap3A_111, %swap3A_112], %swap3A_115 {strides = array<i32>} : memref<8x64x4096xf32, #tpu.memory_space<vmem>>, vector<1x64x2048xf32>,
    %get3A_116 = arith.constant 6 : index
    %get3A_117 = arith.constant 0 : index
    %get3A_118 = arith.constant 0 : index
    %get3A_119 = vector.load %arg1[%get3A_116, %get3A_117, %get3A_118] : memref<8x2048x128xf32, #tpu.memory_space<vmem>>, vector<1x2048x128xf32>
    %get3A_120 = vector.shape_cast %get3A_119 : vector<1x2048x128xf32> to vector<2048x128xf32>
    %transpose3A_121 = tpu.transpose %get3A_120, [1, 0] : vector<2048x128xf32> -> vector<128x2048xf32>
    %slice3A_122 = vector.extract_strided_slice %transpose3A_121 {offsets = [0, 0], sizes = [64, 2048], strides = [1, 1]} : vector<128x2048xf32> to vector<64x2048xf32>
    %swap3A_123 = arith.constant 6 : index
    %swap3A_124 = arith.constant 0 : index
    %swap3A_125 = arith.constant 0 : index
    %swap3A_126 = vector.load %arg2[%swap3A_123, %swap3A_124, %swap3A_125] : memref<8x64x4096xf32, #tpu.memory_space<vmem>>, vector<1x64x2048xf32>
    %swap3A_127 = vector.shape_cast %swap3A_126 : vector<1x64x2048xf32> to vector<64x2048xf32>
    %swap3A_128 = vector.shape_cast %slice3A_122 : vector<64x2048xf32> to vector<1x64x2048xf32>
    tpu.vector_store %arg2[%swap3A_123, %swap3A_124, %swap3A_125], %swap3A_128 {strides = array<i32>} : memref<8x64x4096xf32, #tpu.memory_space<vmem>>, vector<1x64x2048xf32>,
    %slice3A_129 = vector.extract_strided_slice %transpose3A_121 {offsets = [64, 0], sizes = [64, 2048], strides = [1, 1]} : vector<128x2048xf32> to vector<64x2048xf32>
    %swap3A_130 = arith.constant 6 : index
    %swap3A_131 = arith.constant 0 : index
    %swap3A_132 = arith.constant 2048 : index
    %swap3A_133 = vector.load %arg2[%swap3A_130, %swap3A_131, %swap3A_132] : memref<8x64x4096xf32, #tpu.memory_space<vmem>>, vector<1x64x2048xf32>
    %swap3A_134 = vector.shape_cast %swap3A_133 : vector<1x64x2048xf32> to vector<64x2048xf32>
    %swap3A_135 = vector.shape_cast %slice3A_129 : vector<64x2048xf32> to vector<1x64x2048xf32>
    tpu.vector_store %arg2[%swap3A_130, %swap3A_131, %swap3A_132], %swap3A_135 {strides = array<i32>} : memref<8x64x4096xf32, #tpu.memory_space<vmem>>, vector<1x64x2048xf32>,
    %get3A_136 = arith.constant 7 : index
    %get3A_137 = arith.constant 0 : index
    %get3A_138 = arith.constant 0 : index
    %get3A_139 = vector.load %arg1[%get3A_136, %get3A_137, %get3A_138] : memref<8x2048x128xf32, #tpu.memory_space<vmem>>, vector<1x2048x128xf32>
    %get3A_140 = vector.shape_cast %get3A_139 : vector<1x2048x128xf32> to vector<2048x128xf32>
    %transpose3A_141 = tpu.transpose %get3A_140, [1, 0] : vector<2048x128xf32> -> vector<128x2048xf32>
    %slice3A_142 = vector.extract_strided_slice %transpose3A_141 {offsets = [0, 0], sizes = [64, 2048], strides = [1, 1]} : vector<128x2048xf32> to vector<64x2048xf32>
    %swap3A_143 = arith.constant 7 : index
    %swap3A_144 = arith.constant 0 : index
    %swap3A_145 = arith.constant 0 : index
    %swap3A_146 = vector.load %arg2[%swap3A_143, %swap3A_144, %swap3A_145] : memref<8x64x4096xf32, #tpu.memory_space<vmem>>, vector<1x64x2048xf32>
    %swap3A_147 = vector.shape_cast %swap3A_146 : vector<1x64x2048xf32> to vector<64x2048xf32>
    %swap3A_148 = vector.shape_cast %slice3A_142 : vector<64x2048xf32> to vector<1x64x2048xf32>
    tpu.vector_store %arg2[%swap3A_143, %swap3A_144, %swap3A_145], %swap3A_148 {strides = array<i32>} : memref<8x64x4096xf32, #tpu.memory_space<vmem>>, vector<1x64x2048xf32>,
    %slice3A_149 = vector.extract_strided_slice %transpose3A_141 {offsets = [64, 0], sizes = [64, 2048], strides = [1, 1]} : vector<128x2048xf32> to vector<64x2048xf32>
    %swap3A_150 = arith.constant 7 : index
    %swap3A_151 = arith.constant 0 : index
    %swap3A_152 = arith.constant 2048 : index
    %swap3A_153 = vector.load %arg2[%swap3A_150, %swap3A_151, %swap3A_152] : memref<8x64x4096xf32, #tpu.memory_space<vmem>>, vector<1x64x2048xf32>
    %swap3A_154 = vector.shape_cast %swap3A_153 : vector<1x64x2048xf32> to vector<64x2048xf32>
    %swap3A_155 = vector.shape_cast %slice3A_149 : vector<64x2048xf32> to vector<1x64x2048xf32>
    tpu.vector_store %arg2[%swap3A_150, %swap3A_151, %swap3A_152], %swap3A_155 {strides = array<i32>} : memref<8x64x4096xf32, #tpu.memory_space<vmem>>, vector<1x64x2048xf32>,
    return
  }
  func.func @transform_0(%arg0: i32) -> (i32, i32, i32) {
    %c0_i32 = arith.constant 0 : i32
    %c0_i32_0 = arith.constant 0 : i32
    %c0_i32_1 = arith.constant 0 : i32
    return %arg0, %c0_i32, %c0_i32_0 : i32, i32, i32
  }
  func.func @transform_1(%arg0: i32) -> (i32, i32, i32) {
    %c0_i32 = arith.constant 0 : i32
    %c0_i32_0 = arith.constant 0 : i32
    %c0_i32_1 = arith.constant 0 : i32
    return %arg0, %c0_i32, %c0_i32_0 : i32, i32, i32
  }
}

</mosaic_0001>

<sc_bundles>
// kernel: kernel.5.cloned.1.call-start
scs
__scs_entry_jumppad:
0x0: {  	(pc) =	sbr.rel $0x88, $3  }
0x1: {  	(tag) =	ssettag $0x0;
	lr =	simm.s32 $0x1  }
0x2: {  	[smem:$0x3F9B] =	sst lr;
	_ =	strace $0xD0000000  }
0x3: {  	_ = 	snop  }
0x4: {  	_ = 	snop  }
0x5: {  	_ = 	snop  }
0x6: {  	_ = 	snop  }
0x7: {  	_ = 	snop  }
__scs_overlays_trampoline_lowered:
0x8: {  	[smem:$0x3FAA] =	sst s0  }
0x9: {  	[smem:$0x3FAB] =	sst s1  }
0xa: {  	[smem:$0x3FAC] =	sst s2  }
0xb: {  	[smem:$0x3FAD] =	sst s3  }
0xc: {  	[smem:$0x3FAE] =	sst s4  }
0xd: {  	[smem:$0x3FAF] =	sst s5  }
0xe: {  	[smem:$0x3FB0] =	sst s6  }
0xf: {  	[smem:$0x3FB1] =	sst s7  }
0x10: {  	[smem:$0x3FB2] =	sst s8  }
0x11: {  	[smem:$0x3FB3] =	sst s9;
	s0 =	simm.s32 @!p0 $0x0  }
0x12: {  	s1 =	sld [smem:$0x3F99];
	s0 =	simm.s32 @p0 $0x1  }
0x13: {  	[smem:$0x3FB4] =	sst s0;
	s0 =	simm.s32 @!p1 $0x0  }
0x14: {  	s2 =	sld [smem:$0x3F98];
	s0 =	simm.s32 @p1 $0x1  }
0x15: {  	[smem:$0x3FB5] =	sst s0;
	s0 =	simm.s32 @!p2 $0x0  }
0x16: {  	s3 =	sld [smem:$0x3FDB];
	s0 =	simm.s32 @p2 $0x1  }
0x17: {  	s4 =	simm.s32 $0x1BF5;
	[smem:$0x3FB7] =	sst s0  }
0x18: {  	s0 =	sld [smem:$0x3F9A];
	_ =	swait.ge [sflag:s4], $0x0  }
0x19: {  	s7 =	sld [smem:$0x3F9B]  }
0x1a: {  	s8 =	sadd.s32 $0xFFFFE003, lr  }
0x1b: {  	s9 =	sadd.s32 $0xFFFFFEF7, lr;
	s5 =	simm.s32 $0xFFFFFFFF;
	p2 =	slt.u32 s8, $0xFFFFF086  }
0x1c: {  	p1 =	slt.u32 s9, $0xF7A;
	s5 =	simm.s32 @!p2 $0x0  }
0x1d: {  	s5 =	simm.s32 @p1 $0x1;
	p0 =	seq.s32 s7, s2  }
0x1e: {  	s7 =	smul.u32 @!p0 $0xF7A, s2;
	p2 =	seq.s32 @!p0 s5, $0x0  }
0x1f: {  	s9 =	smul.u32 $0xF7A, s1;
	s8 =	simm.s32 @!p0 $0x1BF5;
	p2 =	por !p2, p0  }
0x20: {  	[sflag:s8] =	ssyncset.s32 @!p0 $0xFFFFF086;
	s6 =	sadd.s32 @!p0 s3, s7;
	s7 =	simm.s32 @!p0 $0x108  }
0x21: {  	s3 =	sadd.s32 s3, s9;
	s6 =	sadd.s32 @!p0 $0x88, s6;
	s7 =	simm.s32 @p2 $0x1082  }
0x22: {  	[simem:s7], [sflag:s8] =	dma.local @!p0 [hbm:s6], $0xF7A  }
0x23: {  	s9 =	sor.u32 $0xD0000000, s2;
	s6 =	simm.s32 $0x108;
	_ =	swait.ge @!p0 [sflag:s8], $0x0  }
0x24: {  	s3 =	sadd.s32 $0x88, s3;
	s6 =	simm.s32 @!p1 $0x1082;
	[sflag:s4] =	ssyncset.s32 $0xFFFFF086  }
0x25: {  	[simem:s6], [sflag:s4] =	dma.local [hbm:s3], $0xF7A  }
0x26: {  	[smem:$0x3F9B] =	sst s1;
	(tag) =	ssettag s2;
	_ =	strace s9  }
0x27: {  	s1 =	sld [smem:$0x3FAB]  }
0x28: {  	s2 =	sld [smem:$0x3FAC]  }
0x29: {  	s4 =	sld [smem:$0x3FAE]  }
0x2a: {  	p0 =	seq.s32 s5, $0x0;
	s5 =	sld [smem:$0x3FAF]  }
0x2b: {  	s6 =	sld [smem:$0x3FB0]  }
0x2c: {  	s7 =	sld [smem:$0x3FB1]  }
0x2d: {  	s3 =	simm.s32 $0x108;
	s8 =	sld [smem:$0x3FB2]  }
0x2e: {  	s3 =	simm.s32 @!p0 $0x1082;
	s9 =	sld [smem:$0x3FB3]  }
0x2f: {  	lr =	sadd.s32 s0, s3;
	s0 =	sld [smem:$0x3FAA]  }
0x30: {  	s3 =	sld [smem:$0x3FAD]  }
0x31: {  	[smem:$0x3FB6] =	sst s10  }
0x32: {  	s10 =	sld [smem:$0x3FB4];
	_ =	sdelay $0x3  }
0x33: {  	p0 =	seq.s32 s10, $0x1;
	s10 =	sld [smem:$0x3FB6];
	_ =	sdelay $0x3  }
0x34: {  	[smem:$0x3FB6] =	sst s10  }
0x35: {  	s10 =	sld [smem:$0x3FB5];
	_ =	sdelay $0x3  }
0x36: {  	p1 =	seq.s32 s10, $0x1;
	s10 =	sld [smem:$0x3FB6];
	_ =	sdelay $0x3  }
0x37: {  	[smem:$0x3FB6] =	sst s10  }
0x38: {  	s10 =	sld [smem:$0x3FB7]  }
0x39: {  	_ = 	snop;
	(pc) =	sbr.ind lr, $3  }
0x3a: {  	_ = 	snop  }
0x3b: {  	_ = 	snop  }
0x3c: {  	p2 =	seq.s32 s10, $0x1;
	s10 =	sld [smem:$0x3FB6]  }
0x3d: {  	_ =	shalt  }
0x3e: {  	_ =	shalt  }
0x3f: {  	_ =	shalt  }
0x40: {  	_ =	shalt  }
0x41: {  	_ =	shalt  }
0x42: {  	_ =	shalt  }
0x43: {  	_ =	shalt  }
0x44: {  	_ =	shalt  }
0x45: {  	_ =	shalt  }
0x46: {  	_ =	shalt  }
0x47: {  	_ =	shalt  }
0x48: {  	_ =	shalt  }
0x49: {  	_ =	shalt  }
0x4a: {  	_ =	shalt  }
0x4b: {  	_ =	shalt  }
0x4c: {  	_ =	shalt  }
0x4d: {  	_ =	shalt  }
0x4e: {  	_ =	shalt  }
0x4f: {  	_ =	shalt  }
0x50: {  	_ =	shalt  }
0x51: {  	_ =	shalt  }
0x52: {  	_ =	shalt  }
0x53: {  	_ =	shalt  }
0x54: {  	_ =	shalt  }
0x55: {  	_ =	shalt  }
0x56: {  	_ =	shalt  }
0x57: {  	_ =	shalt  }
0x58: {  	_ =	shalt  }
0x59: {  	_ =	shalt  }
0x5a: {  	_ =	shalt  }
0x5b: {  	_ =	shalt  }
0x5c: {  	_ =	shalt  }
0x5d: {  	_ =	shalt  }
0x5e: {  	_ =	shalt  }
0x5f: {  	_ =	shalt  }
0x60: {  	_ =	shalt  }
0x61: {  	_ =	shalt  }
0x62: {  	_ =	shalt  }
0x63: {  	_ =	shalt  }
0x64: {  	_ =	shalt  }
0x65: {  	_ =	shalt  }
0x66: {  	_ =	shalt  }
0x67: {  	_ =	shalt  }
0x68: {  	_ =	shalt  }
0x69: {  	_ =	shalt  }
0x6a: {  	_ =	shalt  }
0x6b: {  	_ =	shalt  }
0x6c: {  	_ =	shalt  }
0x6d: {  	_ =	shalt  }
0x6e: {  	_ =	shalt  }
0x6f: {  	_ =	shalt  }
0x70: {  	_ =	shalt  }
0x71: {  	_ =	shalt  }
0x72: {  	_ =	shalt  }
0x73: {  	_ =	shalt  }
0x74: {  	_ =	shalt  }
0x75: {  	_ =	shalt  }
0x76: {  	_ =	shalt  }
0x77: {  	_ =	shalt  }
0x78: {  	_ =	shalt  }
0x79: {  	_ =	shalt  }
0x7a: {  	_ =	shalt  }
0x7b: {  	_ =	shalt  }
0x7c: {  	_ =	shalt  }
0x7d: {  	_ =	shalt  }
0x7e: {  	_ =	shalt  }
0x7f: {  	_ =	shalt  }
0x80: {  	_ =	shalt  }
0x81: {  	_ =	shalt  }
0x82: {  	_ =	shalt  }
0x83: {  	_ =	shalt  }
0x84: {  	_ =	shalt  }
0x85: {  	_ =	shalt  }
0x86: {  	_ =	shalt  }
0x87: {  	_ =	shalt  }
.Lfunc_end0:
.L_simem_size_0:
called_computation_lowered:
.L_overlay_start_0:
0x88: {  	s2 =	sld [smem:$0x3FD9]  }
0x89: {  	s3 =	sld [smem:$0x3FFE];
	_ =	sdelay $0x1  }
0x8a: {  	s1 =	srdreg.scid  }
0x8b: {  	s0 =	sand.u32 $0x1, s1  }
0x8c: {  	s16 =	sshll.u32 s0, $0xA;
	s2 =	sadd.s32 s3, s2  }
0x8d: {  	s2 =	sadd.s32 s2, s16  }
0x8e: {  	[smem:$0x3FC2] =	sst s2  }
0x8f: {  	_ = 	snop  }
0x90: {  	(tm) =	ssettm $0x1  }
0x91: {  	s17 =	sld [smem:$0x3FFB];
	_ =	sdelay $0x3  }
0x92: {  	_ =	strace s17  }
0x93: {  	s2 =	sld [smem:$0x3FFC];
	_ =	sdelay $0x3  }
0x94: {  	_ =	strace s2  }
0x95: {  	s2 =	sld [smem:$0x3FFD];
	_ =	sdelay $0x3  }
0x96: {  	_ =	strace s2  }
0x97: {  	_ =	strace $0x8FFFFFFF  }
0x98: {  	s18 =	sld [smem:$0x3FDB];
	_ =	sdelay $0x1  }
0x99: {  	s19 =	simm.s32 $_scs_section_size  }
0x9a: {  	s4 =	simm.s32 $_size__tile_overlayer_lowered;
	s5 =	simm.s32 $_tile_overlayer_lowered  }
0x9b: {  	s22 =	simm.s32 $0x1BFF;
	s21 =	sshll.u32 s5, $0x1;
	s2 =	sadd.s32 s19, s18  }
0x9c: {  	s6 =	simm.s32 $0x0;
	s20 =	sshll.u32 s4, $0x1;
	s4 =	sadd.s32 s21, s2  }
0x9d: {  	[timem:s6], [sflag:s22] =	dma.local [hbm:s4], s20  }
0x9e: {  	_ =	swait.ge [sflag:s22], s20  }
0x9f: {  	s3 =	ssub.s32 $0x0, s20;
	[sflag:s22] =	ssyncset.done $0x0  }
0xa0: {  	[sflag:s22] =	ssyncadd.s32 s3;
	_ =	sdelay $0x1  }
0xa1: {  	s23 =	simm.s32 $0x1B8B  }
0xa2: {  	_ =	swait.ge [sflag:s23], $0x1  }
0xa3: {  	[sflag:s23] =	ssyncset.done $0x0  }
0xa4: {  	s25 =	simm.s32 $0x1B8E;
	s24 =	sld [smem:$0x3FFE];
	[sflag:s23] =	ssyncadd.s32 $0xFFFFFFFF  }
0xa5: {  	s26 =	simm.s32 $execute0_lowered;
	[smem:$0x3FD2] =	sst s25  }
0xa6: {  	s4 =	sshll.u32 s26, $0x1;
	_ =	strace $0x80000046;
	[dreg:$0x1] =	wrdreg $0xFFFFFFFF  }
0xa7: {  	s28 =	simm.s32 $_size_execute0_lowered;
	s2 =	sadd.s32 s2, s4;
	[dreg:$0x0] =	wrdreg $0x0  }
0xa8: {  	s4 =	sshll.u32 s28, $0x1;
	[dreg:$0x2] =	wrdreg s2  }
0xa9: {  	[dreg:$0x3] =	wrdreg s4  }
0xaa: {  	[dreg:$0x4] =	wrdreg $0xC0  }
0xab: {  	_ =	task [dreg:s6], $0x5FFFF  }
0xac: {  	[dreg:$0x1] =	wrdreg $0xFFFFFFFF  }
0xad: {  	[dreg:$0x0] =	wrdreg $0x60  }
0xae: {  	[dreg:$0x2] =	wrdreg s24  }
0xaf: {  	[dreg:$0x3] =	wrdreg $0x9  }
0xb0: {  	_ =	task.clear_ibuf [dreg:s6], $0x4FFFF;
	_ =	strace $0x90000046  }
0xb1: {  	s29 =	simm.s32 $0x9;
	_ =	strace $0x80000048  }
0xb2: {  	_ =	swait.ge [sflag:s29], $0x1  }
0xb3: {  	[sflag:s29] =	ssyncadd.s32 $0xFFFFFFFF  }
0xb4: {  	_ =	strace $0x90000048  }
0xb5: {  	_ =	sfence  }
0xb6: {  	s30 =	sld [smem:$0x0];
	_ =	sdelay $0x2  }
0xb7: {  	s31 =	sshll.u32 s1, $0xD;
	s1 =	sshrl.u32 s1, $0x2  }
0xb8: {  	s3 =	sand.u32 $0x4000, s31;
	s1 =	sadd.s32 s1, s30  }
0xb9: {  	s0 =	sor.u32 s3, s0;
	s1 =	sshll.u32 s1, $0x11  }
0xba: {  	s0 =	sor.u32 s1, s0  }
0xbb: {  	s0 =	sadd.s32 $0x8F2B, s0  }
0xbc: {  	[sflag:s0] =	ssyncadd.remote.s32 $0x1  }
0xbd: {  	_ =	sfence.sel $0xFFFF  }
0xbe: {  	[dreg:$0x0] =	wrdreg $0xFFFFFFFF;
	(pc) =	sbr.abs _section_cstart, $3  }
0xbf: {  	[dreg:$0x1] =	wrdreg $0xFFFFFFFF  }
0xc0: {  	_ =	task.clear_ibuf [dreg:s6], $0x2FFFF;
	_ =	strace $0x9FFFFFFF  }
0xc1: {  	(tm) =	ssettm $0x7FFFFFFF  }
tec
execute0_lowered:
.L_overlay_start_1:
0x0: {  	(tag) =	ssettag $0x1  }
0x1: {  	s1 =	srdreg.scid;
	s0 =	stileid.u32  }
0x2: {  	s4 =	rddreg [dreg:$0x0];
	s2 =	simm.s32 $0x0;
	s3 =	sand.u32 $0x1, s1  }
0x3: {  	s30 =	sshll.u32 s0, $0x1;
	s1 =	rddreg [dreg:$0x1];
	s6 =	smul.u32 $0x320000, s0  }
0x4: {  	s5 =	sor.u32 s3, s30;
	s7 =	ssub.s32 $0x2, s3;
	s8 =	smul.u32 $0x190000, s3  }
0x5: {  	[smem:$0x7FF] =	sst s2;
	s5 =	smul.u32 $0xC80, s5;
	s9 =	sshrl.u32 s7, $0x1  }
0x6: {  	_ =	strace $0x80000047;
	s3 =	sadd.s32 $0x19C00, s4;
	s7 =	ssub.s32 s7, s9  }
0x7: {  	s8 =	sadd.s32 s8, s6;
	s9 =	simm.s32 $0x0;
	s5 =	sadd.s32 s5, s4  }
0x8: {  	s4 =	sadd.s32 $0xDD200, s4;
	s6 =	smax.u32 s7, $0x1;
	s31 =	sshrl.u32 s8, $0x3  }
0x9: {  	s7 =	sadd.s32 $0xFFFFE000, s8;
	s5 =	sadd.s32 $0xC00, s5;
	s8 =	sadd.s32 s31, s4  }
.LBB2_1:
0xa: {  	[tilespmem:s2], [sflag:$0x3] =	stream.linear.gather [hbm4b:s5+s2], $0x6400, $0x38;
	[tilespmem:$0xE400] =	vst v63  }
0xb: {  	s10 =	simm.s32 $0x3;
	p0 =	por $0x1, $0x1  }
0xc: {  	p1 =	por $0x0, $0x0;
	p2 =	por $0x1, $0x1;
	_ =	swait.ge [sflag:s10], $0x6400  }
0xd: {  	p3 =	por $0x1, $0x1;
	p6 =	por $0x0, $0x0;
	[sflag:s10] =	ssyncset.done $0x0  }
0xe: {  	s17 =	simm.s32 $0xB;
	[sflag:s10] =	ssyncadd.s32 $0xFFFF9C00;
	s10 =	simm.s32 @!p0 $0x2  }
0xf: {  	s20 =	smov.u32 s8;
	s11 =	sadd.s32 @!p0 $0xFFFFC000, s7;
	_ =	swait.ge @!p0 [sflag:s10], $0x2000  }
0x10: {  	s13 =	simm.s32 @!p1 $0x80;
	s12 =	simm.s32 @!p0 $0x1;
	[sflag:s10] =	ssyncset.done @!p0 $0x0  }
0x11: {  	s14 =	simm.s32 @!p1 $0x6400;
	p4 =	por @!p2 $0x0, $0x0;
	[sflag:s10] =	ssyncadd.s32 @!p0 $0xFFFFE000  }
0x12: {  	[tilespmem:s14], [sflag:$0x1] =	stream.indirect.gather @!p1 [hbm4b:s3+s13], $0x40, s2, s13, $0xb8;
	[tilespmem:$0xE400] =	vst v63  }
0x13: {  	s11 =	sshrl.u32 @!p0 s11, $0x3;
	p2 =	por p4, p2;
	_ =	swait.ge @!p0 [sflag:s12], $0x2000  }
0x14: {  	s11 =	sadd.s32 @!p0 s4, s11;
	s16 =	simm.s32 @!p2 $0x2;
	[sflag:s12] =	ssyncset.done @!p0 $0x0  }
0x15: {  	s14 =	simm.s32 @!p0 $0x8400;
	[sflag:s12] =	ssyncadd.s32 @!p0 $0xFFFFE000;
	s12 =	simm.s32 @!p0 $0x0  }
0x16: {  	[hbm4b:s11+s12] =	stream.linear.scatter @!p0 [tilespmem:s14], [sflag:$0x2], $0x2000, $0x38;
	[tilespmem:$0xE400] =	vst v63  }
0x17: {  	p5 =	por @!p3 $0x0, $0x0;
	p4 =	por @!p3 $0x0, $0x0;
	_ =	swait.ge @!p2 [sflag:s16], $0x2000  }
0x18: {  	p4 =	por p4, p3;
	s11 =	simm.s32 @!p1 $0x8400;
	[sflag:s16] =	ssyncset.done @!p2 $0x0  }
0x19: {  	s12 =	simm.s32 @!p1 $0x80;
	s14 =	simm.s32 @!p4 $0x1;
	[sflag:s16] =	ssyncadd.s32 @!p2 $0xFFFFE000  }
0x1a: {  	[tilespmem:s11], [sflag:$0x1] =	stream.indirect.gather @!p1 [hbm4b:s3+s13], $0x40, s12, s13, $0xb8;
	[tilespmem:$0xE400] =	vst v63  }
0x1b: {  	p6 =	por p6, p6;
	s11 =	sadd.s32 @!p4 $0xFFFFE000, s7;
	_ =	swait.ge @!p4 [sflag:s14], $0x2000  }
0x1c: {  	s15 =	simm.s32 @!p4 $0x0;
	s11 =	sshrl.u32 @!p4 s11, $0x3;
	[sflag:s14] =	ssyncset.done @!p4 $0x0  }
0x1d: {  	s12 =	simm.s32 @!p4 $0xA400;
	s11 =	sadd.s32 @!p4 s4, s11;
	[sflag:s14] =	ssyncadd.s32 @!p4 $0xFFFFE000  }
0x1e: {  	[hbm4b:s11+s15] =	stream.linear.scatter @!p4 [tilespmem:s12], [sflag:$0x2], $0x2000, $0x38;
	[tilespmem:$0xE400] =	vst v63  }
0x1f: {  	s21 =	simm.s32 @!p1 $0xC400;
	s23 =	simm.s32 @!p1 $0x180;
	_ =	swait.ge @!p0 [sflag:s10], $0x2000  }
0x20: {  	s14 =	simm.s32 $0x7;
	s11 =	simm.s32 @!p1 $0xA400;
	[sflag:s10] =	ssyncset.done @!p0 $0x0  }
0x21: {  	s15 =	simm.s32 $0x1;
	[sflag:s10] =	ssyncadd.s32 @!p0 $0xFFFFE000;
	p0 =	por p5, p3  }
0x22: {  	s10 =	simm.s32 @!p1 $0x100;
	p3 =	por p6, p6;
	s12 =	simm.s32 @!p0 $0x1  }
0x23: {  	[tilespmem:s11], [sflag:$0x1] =	stream.indirect.gather @!p1 [hbm4b:s3+s13], $0x40, s10, s13, $0xb8;
	[tilespmem:$0xE400] =	vst v63  }
0x24: {  	p5 =	por $0x0, $0x0;
	s10 =	sshrl.u32 @!p0 s7, $0x3;
	_ =	swait.ge @!p0 [sflag:s12], $0x2000  }
0x25: {  	s11 =	simm.s32 @!p0 $0xC400;
	s19 =	simm.s32 @!p3 $0x6400;
	[sflag:s12] =	ssyncset.done @!p0 $0x0  }
0x26: {  	s10 =	sadd.s32 @!p0 s4, s10;
	[sflag:s12] =	ssyncadd.s32 @!p0 $0xFFFFE000;
	s12 =	simm.s32 @!p0 $0x0  }
0x27: {  	[hbm4b:s10+s12] =	stream.linear.scatter @!p0 [tilespmem:s11], [sflag:$0x2], $0x2000, $0x38;
	[tilespmem:$0xE400] =	vst v63  }
0x28: {  	s22 =	simm.s32 @!p3 $0x1;
	s11 =	simm.s32 $0x200;
	_ =	swait.ge @!p2 [sflag:s16], $0x2000  }
0x29: {  	s10 =	sadd.s32 $0x1000, s8;
	s12 =	sadd.s32 $0x8000, s7;
	[sflag:s16] =	ssyncset.done @!p2 $0x0  }
.LBB2_2:
0x2a: {  	p0 =	por p5, p5  }
0x2b: {  	[sflag:s16] =	ssyncadd.s32 @!p2 $0xFFFFE000;
	s16 =	simm.s32 @!p0 $0x0  }
0x2c: {  	[tilespmem:s21], [sflag:$0x1] =	stream.indirect.gather @!p1 [hbm4b:s3+s13], $0x40, s23, s13, $0xb8;
	[tilespmem:$0xE400] =	vst v63  }
0x2d: {  	s16 =	simm.s32 @p0 $0x1;
	p0 =	sgt.u32 s17, $0xCA  }
0x2e: {  	[smem:$0x7FB] =	sst s16;
	s16 =	simm.s32 @!p0 $0x0  }
0x2f: {  	s24 =	sadd.s32 $0xFFFFFFF9, s14;
	s16 =	simm.s32 @p0 $0x1  }
0x30: {  	s18 =	smov.u32 s17;
	p6 =	seq.s32 s14, $0x3;
	[smem:$0x7FC] =	sst s16  }
0x31: {  	p5 =	sgt.u32 s24, $0xC7;
	s13 =	simm.s32 @!p3 $0x0;
	_ =	swait.ge @!p3 [sflag:s22], $0x2000  }
0x32: {  	p1 =	sgt.u32 s15, $0x31;
	s21 =	simm.s32 @!p5 $0x2;
	[sflag:s22] =	ssyncset.done @!p3 $0x0  }
0x33: {  	p0 =	seq.s32 s15, $0x0;
	s16 =	sadd.s32 @!p5 $0xFFFFC000, s12;
	[sflag:s22] =	ssyncadd.s32 @!p3 $0xFFFFE000  }
0x34: {  	[hbm4b:s20+s13] =	stream.linear.scatter @!p3 [tilespmem:s19], [sflag:$0x2], $0x2000, $0x38;
	[tilespmem:$0xE400] =	vst v63  }
0x35: {  	p2 =	seq.s32 @!p0 s15, $0x33;
	s16 =	sshrl.u32 @!p5 s16, $0x3;
	_ =	swait.ge @!p5 [sflag:s21], $0x2000  }
0x36: {  	s22 =	sadd.s32 @!p5 s4, s16;
	s16 =	simm.s32 @!p1 $0x6400;
	[sflag:s21] =	ssyncset.done @!p5 $0x0  }
0x37: {  	s13 =	simm.s32 @!p1 $0x80;
	s19 =	simm.s32 @!p5 $0x1;
	[sflag:s21] =	ssyncadd.s32 @!p5 $0xFFFFE000  }
0x38: {  	[tilespmem:s16], [sflag:$0x1] =	stream.indirect.gather @!p1 [hbm4b:s3+s13], $0x40, s11, s13, $0xb8;
	[tilespmem:$0xE400] =	vst v63  }
0x39: {  	s23 =	simm.s32 @!p5 $0x8400;
	p2 =	por p2, p0;
	_ =	swait.ge @!p5 [sflag:s19], $0x2000  }
0x3a: {  	s20 =	sadd.s32 $0xFFFFFFFF, s14;
	s14 =	sadd.s32 $0xFFFFFFFE, s14;
	[sflag:s19] =	ssyncset.done @!p5 $0x0  }
0x3b: {  	s16 =	simm.s32 @!p2 $0x2;
	[sflag:s19] =	ssyncadd.s32 @!p5 $0xFFFFE000;
	s19 =	simm.s32 @!p5 $0x0  }
0x3c: {  	[hbm4b:s22+s19] =	stream.linear.scatter @!p5 [tilespmem:s23], [sflag:$0x2], $0x2000, $0x38;
	[tilespmem:$0xE400] =	vst v63  }
0x3d: {  	s17 =	sadd.s32 $0x4, s17;
	p3 =	sgt.u32 @!p6 s14, $0xCA;
	_ =	swait.ge @!p2 [sflag:s16], $0x2000  }
0x3e: {  	s24 =	simm.s32 @!p1 $0x8400;
	p3 =	por p3, p6;
	[sflag:s16] =	ssyncset.done @!p2 $0x0  }
0x3f: {  	s14 =	sadd.s32 @!p1 $0x80, s11;
	s19 =	simm.s32 @!p3 $0x1;
	[sflag:s16] =	ssyncadd.s32 @!p2 $0xFFFFE000  }
0x40: {  	[tilespmem:s24], [sflag:$0x1] =	stream.indirect.gather @!p1 [hbm4b:s3+s13], $0x40, s14, s13, $0xb8;
	[tilespmem:$0xE400] =	vst v63  }
0x41: {  	p0 =	sgt.u32 @!p6 s20, $0xCA;
	s20 =	sadd.s32 @!p3 $0xFFFFE000, s12;
	_ =	swait.ge @!p3 [sflag:s19], $0x2000  }
0x42: {  	s22 =	simm.s32 @!p3 $0x0;
	s14 =	sshrl.u32 @!p3 s20, $0x3;
	[sflag:s19] =	ssyncset.done @!p3 $0x0  }
0x43: {  	s20 =	simm.s32 @!p3 $0xA400;
	s14 =	sadd.s32 @!p3 s4, s14;
	[sflag:s19] =	ssyncadd.s32 @!p3 $0xFFFFE000  }
0x44: {  	[hbm4b:s14+s22] =	stream.linear.scatter @!p3 [tilespmem:s20], [sflag:$0x2], $0x2000, $0x38;
	[tilespmem:$0xE400] =	vst v63  }
0x45: {  	p3 =	sne.s32 s17, $0xD3  }
0x46: {  	s14 =	simm.s32 @!p3 $0x0  }
0x47: {  	s14 =	simm.s32 @p3 $0x1  }
0x48: {  	[smem:$0x7FD] =	sst s14  }
0x49: {  	p0 =	por p0, p6;
	s23 =	sadd.s32 @!p1 $0x100, s11;
	_ =	swait.ge @!p5 [sflag:s21], $0x2000  }
0x4a: {  	s24 =	simm.s32 @!p1 $0xA400;
	s14 =	smov.u32 s18;
	[sflag:s21] =	ssyncset.done @!p5 $0x0  }
0x4b: {  	s18 =	simm.s32 @!p0 $0x1;
	s29 =	sld [smem:$0x7FB];
	[sflag:s21] =	ssyncadd.s32 @!p5 $0xFFFFE000  }
0x4c: {  	[tilespmem:s24], [sflag:$0x1] =	stream.indirect.gather @!p1 [hbm4b:s3+s13], $0x40, s23, s13, $0xb8;
	[tilespmem:$0xE400] =	vst v63  }
0x4d: {  	s30 =	sld [smem:$0x7FC];
	_ =	swait.ge @!p0 [sflag:s18], $0x2000  }
0x4e: {  	s25 =	simm.s32 @!p0 $0xC400;
	s21 =	sshrl.u32 @!p0 s12, $0x3;
	[sflag:s18] =	ssyncset.done @!p0 $0x0  }
0x4f: {  	s24 =	sadd.s32 @!p0 s4, s21;
	[sflag:s18] =	ssyncadd.s32 @!p0 $0xFFFFE000;
	s18 =	simm.s32 @!p0 $0x0  }
0x50: {  	[hbm4b:s24+s18] =	stream.linear.scatter @!p0 [tilespmem:s25], [sflag:$0x2], $0x2000, $0x38;
	[tilespmem:$0xE400] =	vst v63  }
0x51: {  	_ =	swait.ge @!p2 [sflag:s16], $0x2000  }
0x52: {  	s31 =	sld [smem:$0x7FD];
	_ =	sdelay $0x2  }
0x53: {  	p0 =	seq.s32 s31, $0x1  }
.Ltmp0:
0x54: {  	s15 =	sadd.s32 $0x1, s15;
	(pc) =	sbr.rel @p0 .LBB2_2-.Ltmp0, $4  }
0x55: {  	s20 =	smov.u32 s10;
	s10 =	sadd.s32 $0x1000, s10;
	s12 =	sadd.s32 $0x8000, s12  }
0x56: {  	s21 =	simm.s32 @!p1 $0xC400;
	s23 =	sadd.s32 @!p1 $0x180, s11;
	p4 =	seq.s32 s29, $0x1  }
0x57: {  	s11 =	sadd.s32 $0x200, s11;
	p5 =	seq.s32 s30, $0x1;
	p3 =	por p4, p4  }
0x58: {  	s19 =	simm.s32 @!p3 $0x6400;
	s22 =	simm.s32 @!p3 $0x1;
	[sflag:s16] =	ssyncset.done @!p2 $0x0  }
0x59: {  	s17 =	sadd.s32 $0xFFFFFFF9, s14;
	[sflag:s16] =	ssyncadd.s32 @!p2 $0xFFFFE000  }
0x5a: {  	[tilespmem:s21], [sflag:$0x1] =	stream.indirect.gather @!p1 [hbm4b:s3+s13], $0x40, s23, s13, $0xb8;
	[tilespmem:$0xE400] =	vst v63  }
0x5b: {  	p0 =	seq.s32 s15, $0x0;
	p2 =	sgt.u32 s17, $0xC7;
	_ =	swait.ge @!p3 [sflag:s22], $0x2000  }
0x5c: {  	s13 =	simm.s32 @!p3 $0x0;
	p1 =	sgt.u32 s15, $0x31;
	[sflag:s22] =	ssyncset.done @!p3 $0x0  }
0x5d: {  	s16 =	sadd.s32 @!p2 $0xFFFFC000, s12;
	s17 =	simm.s32 @!p2 $0x2;
	[sflag:s22] =	ssyncadd.s32 @!p3 $0xFFFFE000  }
0x5e: {  	[hbm4b:s20+s13] =	stream.linear.scatter @!p3 [tilespmem:s19], [sflag:$0x2], $0x2000, $0x38;
	[tilespmem:$0xE400] =	vst v63  }
0x5f: {  	s18 =	simm.s32 @!p2 $0x1;
	s16 =	sshrl.u32 @!p2 s16, $0x3;
	_ =	swait.ge @!p2 [sflag:s17], $0x2000  }
0x60: {  	s13 =	sadd.s32 @!p2 s4, s16;
	s16 =	simm.s32 @!p1 $0x80;
	[sflag:s17] =	ssyncset.done @!p2 $0x0  }
0x61: {  	s19 =	simm.s32 @!p1 $0x6400;
	p3 =	seq.s32 @!p0 s15, $0x33;
	[sflag:s17] =	ssyncadd.s32 @!p2 $0xFFFFE000  }
0x62: {  	[tilespmem:s19], [sflag:$0x1] =	stream.indirect.gather @!p1 [hbm4b:s3+s16], $0x40, s11, s16, $0xb8;
	[tilespmem:$0xE400] =	vst v63  }
0x63: {  	s15 =	simm.s32 @!p2 $0x8400;
	s20 =	sadd.s32 $0xFFFFFFFE, s14;
	_ =	swait.ge @!p2 [sflag:s18], $0x2000  }
0x64: {  	p3 =	por p3, p0;
	p0 =	seq.s32 s14, $0x3;
	[sflag:s18] =	ssyncset.done @!p2 $0x0  }
0x65: {  	s19 =	simm.s32 @!p3 $0x2;
	[sflag:s18] =	ssyncadd.s32 @!p2 $0xFFFFE000;
	s18 =	simm.s32 @!p2 $0x0  }
0x66: {  	[hbm4b:s13+s18] =	stream.linear.scatter @!p2 [tilespmem:s15], [sflag:$0x2], $0x2000, $0x38;
	[tilespmem:$0xE400] =	vst v63  }
0x67: {  	p4 =	sgt.u32 @!p0 s20, $0xCA;
	_ =	swait.ge @!p3 [sflag:s19], $0x2000  }
0x68: {  	p4 =	por p4, p0;
	s13 =	simm.s32 @!p1 $0x8400;
	[sflag:s19] =	ssyncset.done @!p3 $0x0  }
0x69: {  	s15 =	sadd.s32 @!p1 $0x80, s11;
	s18 =	simm.s32 @!p4 $0x1;
	[sflag:s19] =	ssyncadd.s32 @!p3 $0xFFFFE000  }
0x6a: {  	[tilespmem:s13], [sflag:$0x1] =	stream.indirect.gather @!p1 [hbm4b:s3+s16], $0x40, s15, s16, $0xb8;
	[tilespmem:$0xE400] =	vst v63  }
0x6b: {  	s13 =	sadd.s32 $0xFFFFFFFF, s14;
	s14 =	sadd.s32 @!p4 $0xFFFFE000, s12;
	_ =	swait.ge @!p4 [sflag:s18], $0x2000  }
0x6c: {  	s20 =	simm.s32 @!p4 $0x0;
	s14 =	sshrl.u32 @!p4 s14, $0x3;
	[sflag:s18] =	ssyncset.done @!p4 $0x0  }
0x6d: {  	s15 =	simm.s32 @!p4 $0xA400;
	s14 =	sadd.s32 @!p4 s4, s14;
	[sflag:s18] =	ssyncadd.s32 @!p4 $0xFFFFE000  }
0x6e: {  	[hbm4b:s14+s20] =	stream.linear.scatter @!p4 [tilespmem:s15], [sflag:$0x2], $0x2000, $0x38;
	[tilespmem:$0xE400] =	vst v63  }
0x6f: {  	p4 =	sgt.u32 @!p0 s13, $0xCA;
	_ =	swait.ge @!p2 [sflag:s17], $0x2000  }
0x70: {  	s13 =	sadd.s32 @!p1 $0x100, s11;
	p0 =	por p4, p0;
	[sflag:s17] =	ssyncset.done @!p2 $0x0  }
0x71: {  	s14 =	simm.s32 @!p1 $0xA400;
	s15 =	simm.s32 @!p0 $0x1;
	[sflag:s17] =	ssyncadd.s32 @!p2 $0xFFFFE000  }
0x72: {  	[tilespmem:s14], [sflag:$0x1] =	stream.indirect.gather @!p1 [hbm4b:s3+s16], $0x40, s13, s16, $0xb8;
	[tilespmem:$0xE400] =	vst v63  }
0x73: {  	s12 =	sshrl.u32 @!p0 s12, $0x3;
	_ =	swait.ge @!p0 [sflag:s15], $0x2000  }
0x74: {  	s12 =	sadd.s32 @!p0 s4, s12;
	[sflag:s15] =	ssyncset.done @!p0 $0x0  }
0x75: {  	s13 =	simm.s32 @!p0 $0xC400;
	s14 =	simm.s32 @!p0 $0x0;
	[sflag:s15] =	ssyncadd.s32 @!p0 $0xFFFFE000  }
0x76: {  	[hbm4b:s12+s14] =	stream.linear.scatter @!p0 [tilespmem:s13], [sflag:$0x2], $0x2000, $0x38;
	[tilespmem:$0xE400] =	vst v63  }
0x77: {  	p6 =	por p5, p5;
	_ =	swait.ge @!p3 [sflag:s19], $0x2000  }
0x78: {  	s11 =	sadd.s32 @!p1 $0x180, s11;
	p0 =	por p6, p6;
	[sflag:s19] =	ssyncset.done @!p3 $0x0  }
0x79: {  	s12 =	simm.s32 @!p1 $0xC400;
	s13 =	simm.s32 @!p0 $0x1;
	[sflag:s19] =	ssyncadd.s32 @!p3 $0xFFFFE000  }
0x7a: {  	[tilespmem:s12], [sflag:$0x1] =	stream.indirect.gather @!p1 [hbm4b:s3+s16], $0x40, s11, s16, $0xb8;
	[tilespmem:$0xE400] =	vst v63  }
0x7b: {  	_ =	swait.ge @!p0 [sflag:s13], $0x2000  }
0x7c: {  	s9 =	sadd.s32 $0x1, s9;
	[sflag:s13] =	ssyncset.done @!p0 $0x0  }
0x7d: {  	s11 =	simm.s32 @!p0 $0x6400;
	s12 =	simm.s32 @!p0 $0x0;
	[sflag:s13] =	ssyncadd.s32 @!p0 $0xFFFFE000  }
0x7e: {  	[hbm4b:s10+s12] =	stream.linear.scatter @!p0 [tilespmem:s11], [sflag:$0x2], $0x2000, $0x38;
	[tilespmem:$0xE400] =	vst v63  }
0x7f: {  	p0 =	sne.s32 s9, s6  }
.Ltmp1:
0x80: {  	_ = 	snop;
	(pc) =	sbr.rel @p0 .LBB2_1-.Ltmp1, $1  }
0x81: {  	_ =	sdelay $0x3  }
0x82: {  	_ =	sfence.sel $0x180000  }
0x83: {  	[bflag:$0x0] =	sbarrier.arrive $0xFFFF  }
0x84: {  	p0 =	sne.s32 s0, $0x0;
	_ =	strace $0x90000047  }
0x85: {  	s0 =	sadd.s32 @!p0 $0x100000, s1;
	[bflag:$0x2] =	sbarrier.arrive $0xFFFF  }
0x86: {  	[sflag:s0] =	ssyncadd.tile.s32 @!p0 $0x1;
	_ =	shalt  }
.Lfunc_end2:
_tile_overlayer_lowered:
.L_overlay_start_2:
0x87: {  	(tag) =	ssettag $0x2  }
0x88: {  	s0 =	rddreg [dreg:$0x0];
	s2 =	stileid.u32  }
0x89: {  	s1 =	rddreg [dreg:$0x1];
	p0 =	sne.s32 s2, $0x0  }
0x8a: {  	s3 =	rddreg [dreg:$0x2];
	[bflag:$0x3] =	sbarrier.arrive $0xFFFF;
	s2 =	simm.s32 @!p0 $0x1C03  }
0x8b: {  	[timem:s3], [sflag:s2] =	dma.local @!p0 [hbm:s0], s1  }
0x8c: {  	s0 =	simm.s32 @!p0 $0x3  }
0x8d: {  	_ =	swait.ge @!p0 [sflag:s0], s1  }
0x8e: {  	s1 =	ssub.s32 @!p0 $0x0, s1;
	[sflag:s0] =	ssyncset.done @!p0 $0x0  }
0x8f: {  	[sflag:s0] =	ssyncadd.s32 @!p0 s1  }
0x90: {  	[bflag:$0x3] =	sbarrier.arrive $0xFFFF  }
0x91: {  	_ =	shalt  }

</sc_bundles>
